<compile_context>
chip_gen: v7x
topology: tpu7x:2x2x1
jax: 0.10.2.dev20260603
libtpu: 0.0.44.dev20260713+nightly
codegen_flags: <defaults>
</compile_context>

<pallas_src>
import functools

import jax
import jax.numpy as jnp
from jax import lax
from jax.experimental import pallas as pl
from jax.experimental.pallas import tpu as pltpu
from jax.experimental.pallas import tpu_sc as plsc

F32 = jnp.float32
I32 = jnp.int32

NUM_GRAPHS = 512
EMBED = 16
N_TOT = 209408
N_GEN = 3072
GEN_START = N_TOT - N_GEN
N_EDGES = N_TOT * 16

NC = 2
NS = 16
NW = NC * NS
E_W = N_EDGES // NW
NCH = 8
C = E_W // NCH
NV = C // 16
SB = 128
CROWS = 104
ACC_ROWS = 3088
DUMMY = 3072
ZROWS = ACC_ROWS // NS
WROWS = N_GEN // NS


def _sc_edge_body(edge_hbm, h_hbm, acc_out,
                  dstb, srcb, cidx, cgrow, g32a, g32b, wide, zbuf, tmpv,
                  acc_s, sem_a, sem_b):
    c = lax.axis_index("c")
    s = lax.axis_index("s")
    wid = c * NS + s
    zeros16 = jnp.zeros((16,), F32)
    ones16 = jnp.ones((16,), F32)
    iota16 = lax.iota(I32, 16)

    def _init_z(i, _):
        zbuf[i, 0:16] = zeros16
        zbuf[i, 16:32] = zeros16
        zbuf[i, 32:48] = zeros16
        return 0
    lax.fori_loop(0, ZROWS, _init_z, 0)

    def _init_o(i, _):
        wide[i, 32:48] = ones16
        return 0
    lax.fori_loop(0, SB, _init_o, 0)

    zr = pl.multiple_of(s * ZROWS, ZROWS)
    pltpu.sync_copy(zbuf, acc_s.at[pl.ds(zr, ZROWS)])
    plsc.subcore_barrier()

    def _chunk(ch, _):
        base = pl.multiple_of(wid * E_W + ch * C, C)
        pltpu.sync_copy(edge_hbm.at[1, pl.ds(base, C)], dstb)
        pltpu.sync_copy(edge_hbm.at[0, pl.ds(base, C)], srcb)

        def _half(off, kv, d):
            m = d >= GEN_START
            cs = plsc.cumsum(jnp.where(m, 1, 0))
            pos = kv + cs - 1
            prow = lax.shift_right_logical(pos, 7)
            pcol = lax.bitwise_and(pos, 127)
            sv = srcb[pl.ds(off, 16)]
            sv = (sv + jnp.where(sv >= 111104, 2176, 0)
                  + jnp.where(sv >= GEN_START, 2944, 0))
            g = d - GEN_START
            plsc.store_scatter(cidx, [prow, pcol], sv, mask=m)
            plsc.store_scatter(cgrow, [prow, pcol], g, mask=m)
            return kv + plsc.all_reduce_population_count(m)

        def _scan(i, kv):
            off = pl.multiple_of(i * 32, 32)
            d0 = dstb[pl.ds(off, 16)]
            d1 = dstb[pl.ds(off + 16, 16)]
            kv = _half(off, kv, d0)
            kv = _half(off + 16, kv, d1)
            return kv

        kraw = lax.fori_loop(0, NV // 2, _scan, jnp.zeros((16,), I32))
        tmpv[0:16] = kraw
        kvec = tmpv[0:16]
        kpv = lax.bitwise_and(kvec + (SB - 1), -SB)

        def _pad(j, pv):
            pm = pv < kpv
            prow = lax.shift_right_logical(pv, 7)
            pcol = lax.bitwise_and(pv, 127)
            plsc.store_scatter(cidx, [prow, pcol], jnp.zeros((16,), I32), mask=pm)
            plsc.store_scatter(cgrow, [prow, pcol],
                               jnp.full((16,), DUMMY, I32), mask=pm)
            return pv + 16
        lax.fori_loop(0, SB // 16, _pad, kvec + iota16)

        nsb = lax.shift_right_logical(kpv[0], 7)

        @pl.when(nsb > 0)
        def _fire0():
            pltpu.async_copy(h_hbm.at[cidx.at[0]], g32a, sem_a)

        def _do_sb(j, gcur, scur, gnxt, snxt):
            pltpu.make_async_copy(h_hbm.at[cidx.at[0]], gcur, scur).wait()

            @pl.when(j + 1 < nsb)
            def _fire():
                pltpu.async_copy(h_hbm.at[cidx.at[j + 1]], gnxt, snxt)

            def _cp(r, _):
                rr = pl.multiple_of(r * 4, 4)
                for q in range(4):
                    wide[rr + q, 0:16] = gcur[rr + q, 0:16]
                    wide[rr + q, 16:32] = gcur[rr + q, 16:32]
                return 0
            lax.fori_loop(0, SB // 4, _cp, 0)
            pltpu.sync_copy(wide, acc_s.at[cgrow.at[j]], add=True)

        def _sb(j, _):
            even = lax.bitwise_and(j, 1) == 0

            @pl.when(even)
            def _e():
                _do_sb(j, g32a, sem_a, g32b, sem_b)

            @pl.when(jnp.logical_not(even))
            def _o():
                _do_sb(j, g32b, sem_b, g32a, sem_a)

            return 0
        lax.fori_loop(0, nsb, _sb, 0)
        return 0

    lax.fori_loop(0, NCH, _chunk, 0)
    plsc.subcore_barrier()

    r0 = pl.multiple_of(s * WROWS, WROWS)
    o0 = pl.multiple_of(c * N_GEN + s * WROWS, WROWS)
    pltpu.sync_copy(acc_s.at[pl.ds(r0, WROWS)], acc_out.at[pl.ds(o0, WROWS)])


_sc_edge = functools.partial(
    pl.kernel,
    mesh=plsc.VectorSubcoreMesh(core_axis_name="c", subcore_axis_name="s"),
    compiler_params=pltpu.CompilerParams(needs_layout_passes=False, use_tc_tiling_on_sc=False),
    out_type=jax.ShapeDtypeStruct((NC * N_GEN, 3 * EMBED), F32),
    scratch_types=[
        pltpu.VMEM((C,), I32),
        pltpu.VMEM((C,), I32),
        pltpu.VMEM((CROWS, SB), I32),
        pltpu.VMEM((CROWS, SB), I32),
        pltpu.VMEM((SB, 2 * EMBED), F32),
        pltpu.VMEM((SB, 2 * EMBED), F32),
        pltpu.VMEM((SB, 3 * EMBED), F32),
        pltpu.VMEM((ZROWS, 3 * EMBED), F32),
        pltpu.VMEM((16,), I32),
        pltpu.VMEM_SHARED((ACC_ROWS, 3 * EMBED), F32),
        pltpu.SemaphoreType.DMA,
        pltpu.SemaphoreType.DMA,
    ],
)(_sc_edge_body)


EBLK = 7552
H_ROWS = 29 * EBLK
HP_LINE = 113280
HP_GEN = 211456


def _embed_body(xb_ref, xl_ref, xli_ref, xg_ref, w_ref, b_ref, o_ref):
    i = pl.program_id(0)
    t = ((i >= 8).astype(I32) + (i >= 15).astype(I32)
         + (i >= 28).astype(I32))

    @pl.when(t == 0)
    def _bus():
        o_ref[...] = (jnp.dot(xb_ref[...], w_ref[0, 0:7, :],
                              preferred_element_type=F32) + b_ref[0:1, :])

    @pl.when(t == 1)
    def _load():
        o_ref[...] = (jnp.dot(xl_ref[...], w_ref[1, 0:5, :],
                              preferred_element_type=F32) + b_ref[1:2, :])

    @pl.when(t == 2)
    def _line():
        o_ref[...] = (jnp.dot(xli_ref[...], w_ref[2, 0:9, :],
                              preferred_element_type=F32) + b_ref[2:3, :])

    @pl.when(t == 3)
    def _gen():
        o_ref[...] = (jnp.dot(xg_ref[...], w_ref[3, 0:12, :],
                              preferred_element_type=F32) + b_ref[3:4, :])


def _embed(xb, xl, xli, xg, w_all, b_all):
    return pl.pallas_call(
        _embed_body,
        grid=(29,),
        in_specs=[
            pl.BlockSpec((EBLK, 7), lambda i: (jnp.clip(i, 0, 7), 0)),
            pl.BlockSpec((EBLK, 5), lambda i: (jnp.clip(i - 8, 0, 6), 0)),
            pl.BlockSpec((EBLK, 9), lambda i: (jnp.clip(i - 15, 0, 12), 0)),
            pl.BlockSpec((EBLK, 12), lambda i: (0, 0)),
            pl.BlockSpec((4, 12, 2 * EMBED), lambda i: (0, 0, 0)),
            pl.BlockSpec((4, 2 * EMBED), lambda i: (0, 0)),
        ],
        out_specs=pl.BlockSpec((EBLK, 2 * EMBED), lambda i: (i, 0)),
        out_shape=jax.ShapeDtypeStruct((H_ROWS, 2 * EMBED), F32),
        compiler_params=pltpu.CompilerParams(
            vmem_limit_bytes=56 * 1024 * 1024),
    )(xb, xl, xli, xg, w_all, b_all)


def _node_body(acc_ref, hg_ref, wc_ref, bc_ref, r1_ref, r2_ref):
    a = (acc_ref[0:N_GEN, 0:2 * EMBED]
         + acc_ref[N_GEN:2 * N_GEN, 0:2 * EMBED])
    cnt = (acc_ref[0:N_GEN, 2 * EMBED:2 * EMBED + 1]
           + acc_ref[N_GEN:2 * N_GEN, 2 * EMBED:2 * EMBED + 1])
    denom = jnp.maximum(cnt, 1.0)
    for q, out_ref in ((0, r1_ref), (1, r2_ref)):
        w = wc_ref[q]
        w1 = w[0:EMBED, :]
        w2 = w[EMBED:2 * EMBED, :]
        hg = hg_ref[:, q * EMBED:(q + 1) * EMBED]
        sm = a[:, q * EMBED:(q + 1) * EMBED]
        pre = (cnt * (jnp.dot(hg, w1 - w2, preferred_element_type=F32)
                      + bc_ref[q][None, :])
               + jnp.dot(sm, w2, preferred_element_type=F32))
        out = jnp.maximum(pre, 0.0) / denom
        out_ref[...] = jnp.concatenate([out, hg], axis=1)


def _node(acc, hg, wc, bc):
    return pl.pallas_call(
        _node_body,
        out_shape=[jax.ShapeDtypeStruct((N_GEN, 2 * EMBED), F32),
                   jax.ShapeDtypeStruct((N_GEN, 2 * EMBED), F32)],
    )(acc, hg, wc, bc)


def _val_body(r1_ref, r2_ref, w1_ref, w2_ref, b1_ref, b2_ref, o1_ref, o2_ref):
    o1_ref[...] = (jnp.dot(r1_ref[...], w1_ref[...],
                           preferred_element_type=F32) + b1_ref[0, 0])
    o2_ref[...] = (jnp.dot(r2_ref[...], w2_ref[...],
                           preferred_element_type=F32) + b2_ref[0, 0])


def _value(r1, r2, w1, w2, b1, b2):
    return pl.pallas_call(
        _val_body,
        out_shape=[jax.ShapeDtypeStruct((NUM_GRAPHS, 1), F32),
                   jax.ShapeDtypeStruct((NUM_GRAPHS, 1), F32)],
    )(r1, r2, w1, w2, b1, b2)


def kernel(x_bus, x_load, x_line, x_gen, action, edge_index, qf1, qf2):
    x_gen_a = jnp.concatenate([x_gen, action.reshape(-1, 1)], axis=1)
    types = (("bus", 7), ("load", 5), ("line", 9), ("gen", 12))
    w_all = jnp.stack([
        jnp.concatenate([jnp.pad(qf1[f"W_{t}"], ((0, 12 - d), (0, 0))),
                         jnp.pad(qf2[f"W_{t}"], ((0, 12 - d), (0, 0)))], axis=1)
        for t, d in types])
    b_all = jnp.stack([jnp.concatenate([qf1[f"b_{t}"], qf2[f"b_{t}"]])
                       for t, _ in types])

    h = _embed(x_bus,
               jnp.pad(x_load, ((0, 7 * EBLK - 50688), (0, 0))),
               jnp.pad(x_line, ((0, 13 * EBLK - 95232), (0, 0))),
               jnp.pad(x_gen_a, ((0, EBLK - N_GEN), (0, 0))),
               w_all, b_all)

    acc = _sc_edge(edge_index, h)

    hg = h[HP_GEN:HP_GEN + N_GEN, :]
    wc = jnp.stack([qf1["W_conv"], qf2["W_conv"]])
    bc = jnp.stack([qf1["b_conv"], qf2["b_conv"]])
    r1, r2 = _node(acc, hg, wc, bc)

    v1, v2 = _value(r1.reshape(NUM_GRAPHS, -1), r2.reshape(NUM_GRAPHS, -1),
                    qf1["W_val"], qf2["W_val"],
                    qf1["b_val"].reshape(1, 1), qf2["b_val"].reshape(1, 1))
    return (v1, v2)

# --- scband reference (transcript-rebuilt; emitter-appended) ---
"""Pipeline reference for scband-qgraph-network-5660766896163 (READ-ONLY COPY).

The authoritative reference and input builder live on the scoring server;
editing this copy changes nothing except your own understanding.
"""

import jax, jax.numpy as jnp
import numpy as np

NUM_GRAPHS = 512
COUNTS = {'bus': 118, 'load': 99, 'line': 186, 'gen': 6}
RAW_DIMS = {'bus': 7, 'load': 5, 'line': 9, 'gen': 12}  # gen includes appended action column
EMBED = 16
N_TOTAL = NUM_GRAPHS * sum(COUNTS.values())  # 209408
N_GEN = NUM_GRAPHS * COUNTS['gen']           # 3072
GEN_START = N_TOTAL - N_GEN
N_EDGES = N_TOTAL * 16                        # 3350528


def _init_params(key):
    p = {}
    i = 0
    for t, d in RAW_DIMS.items():
        p[f'W_{t}'] = jax.random.normal(jax.random.fold_in(key, i), (d, EMBED), dtype=jnp.float32) * 0.1
        p[f'b_{t}'] = jnp.zeros((EMBED,), dtype=jnp.float32)
        i += 1
    p['W_conv'] = jax.random.normal(jax.random.fold_in(key, 10), (2 * EMBED, EMBED), dtype=jnp.float32) * 0.1
    p['b_conv'] = jnp.zeros((EMBED,), dtype=jnp.float32)
    p['W_final'] = jax.random.normal(jax.random.fold_in(key, 11), (2 * EMBED, 1), dtype=jnp.float32) * 0.001
    p['b_final'] = jnp.zeros((1,), dtype=jnp.float32)
    p['W_val'] = jax.random.normal(jax.random.fold_in(key, 12), (2 * COUNTS['gen'] * EMBED, 1), dtype=jnp.float32) * 0.001
    p['b_val'] = jnp.zeros((1,), dtype=jnp.float32)
    return p


def setup_inputs(seed: int = 0) -> dict:
    key = jax.random.key(seed)
    inp = {}
    inp['x_bus'] = jax.random.normal(jax.random.fold_in(key, 1), (NUM_GRAPHS * COUNTS['bus'], 7), dtype=jnp.float32)
    inp['x_load'] = jax.random.normal(jax.random.fold_in(key, 2), (NUM_GRAPHS * COUNTS['load'], 5), dtype=jnp.float32)
    inp['x_line'] = jax.random.normal(jax.random.fold_in(key, 3), (NUM_GRAPHS * COUNTS['line'], 9), dtype=jnp.float32)
    inp['x_gen'] = jax.random.normal(jax.random.fold_in(key, 4), (N_GEN, 11), dtype=jnp.float32)
    inp['action'] = jax.random.normal(jax.random.fold_in(key, 5), (NUM_GRAPHS, COUNTS['gen']), dtype=jnp.float32)
    inp['edge_index'] = jax.random.randint(jax.random.fold_in(key, 6), (2, N_EDGES), 0, N_TOTAL, dtype=jnp.int64 if jax.config.jax_enable_x64 else jnp.int32).astype(jnp.int32)
    inp['qf1'] = _init_params(jax.random.fold_in(key, 100))
    inp['qf2'] = _init_params(jax.random.fold_in(key, 200))
    return inp


def _edge_conv_mean(x, edge_index, W, b):
    # PyG EdgeConv: out_i = mean_{j in N(i)} nn(cat([x_i, x_j - x_i]))
    src = edge_index[0]
    dst = edge_index[1]
    x_i = jnp.take(x, dst, axis=0)
    x_j = jnp.take(x, src, axis=0)
    msg = jnp.concatenate([x_i, x_j - x_i], axis=1) @ W + b
    n = x.shape[0]
    summed = jax.ops.segment_sum(msg, dst, num_segments=n)
    cnt = jax.ops.segment_sum(jnp.ones((dst.shape[0],), dtype=x.dtype), dst, num_segments=n)
    return summed / jnp.maximum(cnt, 1.0)[:, None]


def _graphnet(p, x_bus, x_load, x_line, x_gen_a, edge_index):
    h_bus = x_bus @ p['W_bus'] + p['b_bus']
    h_load = x_load @ p['W_load'] + p['b_load']
    h_line = x_line @ p['W_line'] + p['b_line']
    h_gen = x_gen_a @ p['W_gen'] + p['b_gen']
    x = jnp.concatenate([h_bus, h_load, h_line, h_gen], axis=0)  # homogeneous; gen nodes = node_type 3 at tail
    skip = x[GEN_START:]
    x = jax.nn.relu(_edge_conv_mean(x, edge_index, p['W_conv'], p['b_conv']))
    res = x[GEN_START:]
    res = jnp.concatenate([res, skip], axis=1)
    value = res.reshape(NUM_GRAPHS, -1) @ p['W_val'] + p['b_val']
    result = (res @ p['W_final'] + p['b_final']).reshape(NUM_GRAPHS, -1)
    return result, value


def reference(x_bus, x_load, x_line, x_gen, action, edge_index, qf1, qf2):
    x_gen_a = jnp.concatenate([x_gen, action.reshape(-1, 1)], axis=1)
    v1 = _graphnet(qf1, x_bus, x_load, x_line, x_gen_a, edge_index)[1]
    v2 = _graphnet(qf2, x_bus, x_load, x_line, x_gen_a, edge_index)[1]
    return (v1, v2)

if __name__ == "__main__":
    import jax
    _d = setup_inputs()
    print(jax.jit(kernel)(*tuple(_d.values())))

</pallas_src>

<mosaic_0001>
#map = affine_map<(d0, d1) -> (0, 0)>
module attributes {stable_mosaic.version = 14 : i64} {
  func.func @_sc_edge_body(%arg0: i32, %arg1: i32, %arg2: memref<2x3350528xi32, #tpu.memory_space<hbm>>, %arg3: memref<219008x32xf32, #tpu.memory_space<hbm>>, %arg4: memref<6144x48xf32, #tpu.memory_space<hbm>>, %arg5: memref<13088xi32, #tpu.memory_space<vmem>>, %arg6: memref<13088xi32, #tpu.memory_space<vmem>>, %arg7: memref<104x128xi32, #tpu.memory_space<vmem>>, %arg8: memref<104x128xi32, #tpu.memory_space<vmem>>, %arg9: memref<128x32xf32, #tpu.memory_space<vmem>>, %arg10: memref<128x32xf32, #tpu.memory_space<vmem>>, %arg11: memref<128x48xf32, #tpu.memory_space<vmem>>, %arg12: memref<193x48xf32, #tpu.memory_space<vmem>>, %arg13: memref<16xi32, #tpu.memory_space<vmem>>, %arg14: memref<3088x48xf32, #tpu.memory_space<vmem_shared>>, %arg15: memref<!tpu.dma_semaphore, #tpu.memory_space<semaphore_mem>>, %arg16: memref<!tpu.dma_semaphore, #tpu.memory_space<semaphore_mem>>) attributes {dimension_semantics = [#tpu.dimension_semantics<core_parallel>, #tpu.dimension_semantics<subcore_parallel>], iteration_bounds = array<i64: 2, 16>, scalar_prefetch = 0 : i64, scratch_operands = 12 : i64, tpu.core_type = #tpu.core_type<sc_vector_subcore>, window_params = [{transform_indices = #map}, {transform_indices = #map}, {transform_indices = #map}]} {
    %mul3A = arith.constant 16 : i32
    %mul3A_0 = arith.muli %arg0, %mul3A : i32
    %add3A = arith.addi %mul3A_0, %arg1 : i32
    %broadcast_in_dim3A = arith.constant 0.000000e+00 : f32
    %broadcast_in_dim3A_1 = vector.broadcast %broadcast_in_dim3A : f32 to vector<16xf32>
    %broadcast_in_dim3A_2 = arith.constant 1.000000e+00 : f32
    %broadcast_in_dim3A_3 = vector.broadcast %broadcast_in_dim3A_2 : f32 to vector<16xf32>
    %iota3A = tpu.iota {dimensions = array<i32: 0>} : vector<16xi32>
    %scan3A = arith.constant 0 : i32
    %scan3A_4 = arith.constant 0 : i32
    %scan3A_5 = arith.constant 193 : i32
    %scan3A_6 = arith.addi %scan3A_4, %scan3A_5 : i32
    %scan3A_7 = arith.constant 1 : i32
    %scan3A_8 = scf.for %scan3A_36 = %scan3A_4 to %scan3A_6 step %scan3A_7 iter_args(%scan3A_37 = %scan3A) -> (i32)  : i32 {
      %swap3A = arith.index_cast %scan3A_36 : i32 to index
      %swap3A_38 = arith.constant 0 : index
      %swap3A_39 = tpu.vector_load %arg12[%swap3A, %swap3A_38] {strides = array<i32>} : memref<193x48xf32, #tpu.memory_space<vmem>>, vector<16xf32>,
      tpu.vector_store %arg12[%swap3A, %swap3A_38], %broadcast_in_dim3A_1 {strides = array<i32>} : memref<193x48xf32, #tpu.memory_space<vmem>>, vector<16xf32>,
      %swap3A_40 = arith.index_cast %scan3A_36 : i32 to index
      %swap3A_41 = arith.constant 16 : index
      %swap3A_42 = tpu.vector_load %arg12[%swap3A_40, %swap3A_41] {strides = array<i32>} : memref<193x48xf32, #tpu.memory_space<vmem>>, vector<16xf32>,
      tpu.vector_store %arg12[%swap3A_40, %swap3A_41], %broadcast_in_dim3A_1 {strides = array<i32>} : memref<193x48xf32, #tpu.memory_space<vmem>>, vector<16xf32>,
      %swap3A_43 = arith.index_cast %scan3A_36 : i32 to index
      %swap3A_44 = arith.constant 32 : index
      %swap3A_45 = tpu.vector_load %arg12[%swap3A_43, %swap3A_44] {strides = array<i32>} : memref<193x48xf32, #tpu.memory_space<vmem>>, vector<16xf32>,
      tpu.vector_store %arg12[%swap3A_43, %swap3A_44], %broadcast_in_dim3A_1 {strides = array<i32>} : memref<193x48xf32, #tpu.memory_space<vmem>>, vector<16xf32>,
      %scan3A_46 = arith.constant 0 : i32
      scf.yield %scan3A_46 : i32
    }
    %scan3A_9 = arith.constant 193 : i32
    %scan3A_10 = arith.constant 0 : i32
    %scan3A_11 = arith.constant 0 : i32
    %scan3A_12 = arith.constant 128 : i32
    %scan3A_13 = arith.addi %scan3A_11, %scan3A_12 : i32
    %scan3A_14 = arith.constant 1 : i32
    %scan3A_15 = scf.for %scan3A_36 = %scan3A_11 to %scan3A_13 step %scan3A_14 iter_args(%scan3A_37 = %scan3A_10) -> (i32)  : i32 {
      %swap3A = arith.index_cast %scan3A_36 : i32 to index
      %swap3A_38 = arith.constant 32 : index
      %swap3A_39 = tpu.vector_load %arg11[%swap3A, %swap3A_38] {strides = array<i32>} : memref<128x48xf32, #tpu.memory_space<vmem>>, vector<16xf32>,
      tpu.vector_store %arg11[%swap3A, %swap3A_38], %broadcast_in_dim3A_3 {strides = array<i32>} : memref<128x48xf32, #tpu.memory_space<vmem>>, vector<16xf32>,
      %scan3A_40 = arith.constant 0 : i32
      scf.yield %scan3A_40 : i32
    }
    %scan3A_16 = arith.constant 128 : i32
    %mul3A_17 = arith.constant 193 : i32
    %mul3A_18 = arith.muli %arg1, %mul3A_17 : i32
    %multiple_of3A = tpu.assume_multiple %mul3A_18, 193 : i32
    "tpu.region"() ({
      %run_scoped3A = tpu.sem_alloc : memref<!tpu.dma_semaphore, #tpu.memory_space<semaphore_mem>>
      %dma_start3A = arith.constant 0 : i32
      %dma_start3A_36 = tpu.memref_slice %arg14[%multiple_of3A, %dma_start3A] : memref<3088x48xf32, #tpu.memory_space<vmem_shared>> -> memref<193x48xf32, #tpu.memory_space<vmem_shared>>
      %dma_start3A_37 = arith.constant 0 : i32
      %dma_start3A_38 = tpu.memref_slice %arg14[%multiple_of3A, %dma_start3A_37] : memref<3088x48xf32, #tpu.memory_space<vmem_shared>> -> memref<193x48xf32, #tpu.memory_space<vmem_shared>>
      tpu.enqueue_dma source(%arg12 : memref<193x48xf32, #tpu.memory_space<vmem>>) target(%dma_start3A_38 : memref<193x48xf32, #tpu.memory_space<vmem_shared>>) target_semaphore(%run_scoped3A : memref<!tpu.dma_semaphore, #tpu.memory_space<semaphore_mem>>)
      %dma_wait3A = arith.constant 0 : i32
      %dma_wait3A_39 = tpu.memref_slice %arg14[%multiple_of3A, %dma_wait3A] : memref<3088x48xf32, #tpu.memory_space<vmem_shared>> -> memref<193x48xf32, #tpu.memory_space<vmem_shared>>
      %dma_wait3A_40 = arith.constant 0 : i32
      %dma_wait3A_41 = tpu.memref_slice %arg14[%multiple_of3A, %dma_wait3A_40] : memref<3088x48xf32, #tpu.memory_space<vmem_shared>> -> memref<193x48xf32, #tpu.memory_space<vmem_shared>>
      tpu.wait_dma2 semaphore(%run_scoped3A : memref<!tpu.dma_semaphore, #tpu.memory_space<semaphore_mem>>) src(%arg12 : memref<193x48xf32, #tpu.memory_space<vmem>>) dst(%dma_wait3A_41 : memref<193x48xf32, #tpu.memory_space<vmem_shared>>)
      tpu.yield
    }) : () -> ()
    %barrier3A = arith.constant 0 : index
    tpu.barrier barrier_id(%barrier3A)
    %scan3A_19 = arith.constant 0 : i32
    %scan3A_20 = arith.constant 0 : i32
    %scan3A_21 = arith.constant 8 : i32
    %scan3A_22 = arith.addi %scan3A_20, %scan3A_21 : i32
    %scan3A_23 = arith.constant 1 : i32
    %scan3A_24 = scf.for %scan3A_36 = %scan3A_20 to %scan3A_22 step %scan3A_23 iter_args(%scan3A_37 = %scan3A_19) -> (i32)  : i32 {
      %mul3A_38 = arith.constant 104704 : i32
      %mul3A_39 = arith.muli %add3A, %mul3A_38 : i32
      %mul3A_40 = arith.constant 13088 : i32
      %mul3A_41 = arith.muli %scan3A_36, %mul3A_40 : i32
      %add3A_42 = arith.addi %mul3A_39, %mul3A_41 : i32
      %multiple_of3A_43 = tpu.assume_multiple %add3A_42, 13088 : i32
      %run_scoped3A = arith.constant 1 : i32
      "tpu.region"() ({
        %run_scoped3A_82 = tpu.sem_alloc : memref<!tpu.dma_semaphore, #tpu.memory_space<semaphore_mem>>
        %dma_start3A = tpu.memref_slice %arg2[%run_scoped3A, %multiple_of3A_43] : memref<2x3350528xi32, #tpu.memory_space<hbm>> -> memref<1x13088xi32, #tpu.memory_space<hbm>>
        %dma_start3A_83 = tpu.memref_squeeze %dma_start3A : memref<1x13088xi32, #tpu.memory_space<hbm>> -> memref<13088xi32, #tpu.memory_space<hbm>>
        %dma_start3A_84 = tpu.memref_slice %arg2[%run_scoped3A, %multiple_of3A_43] : memref<2x3350528xi32, #tpu.memory_space<hbm>> -> memref<1x13088xi32, #tpu.memory_space<hbm>>
        %dma_start3A_85 = tpu.memref_squeeze %dma_start3A_84 : memref<1x13088xi32, #tpu.memory_space<hbm>> -> memref<13088xi32, #tpu.memory_space<hbm>>
        tpu.enqueue_dma source(%dma_start3A_85 : memref<13088xi32, #tpu.memory_space<hbm>>) target(%arg5 : memref<13088xi32, #tpu.memory_space<vmem>>) target_semaphore(%run_scoped3A_82 : memref<!tpu.dma_semaphore, #tpu.memory_space<semaphore_mem>>)
        %dma_wait3A = tpu.memref_slice %arg2[%run_scoped3A, %multiple_of3A_43] : memref<2x3350528xi32, #tpu.memory_space<hbm>> -> memref<1x13088xi32, #tpu.memory_space<hbm>>
        %dma_wait3A_86 = tpu.memref_squeeze %dma_wait3A : memref<1x13088xi32, #tpu.memory_space<hbm>> -> memref<13088xi32, #tpu.memory_space<hbm>>
        %dma_wait3A_87 = tpu.memref_slice %arg2[%run_scoped3A, %multiple_of3A_43] : memref<2x3350528xi32, #tpu.memory_space<hbm>> -> memref<1x13088xi32, #tpu.memory_space<hbm>>
        %dma_wait3A_88 = tpu.memref_squeeze %dma_wait3A_87 : memref<1x13088xi32, #tpu.memory_space<hbm>> -> memref<13088xi32, #tpu.memory_space<hbm>>
        tpu.wait_dma2 semaphore(%run_scoped3A_82 : memref<!tpu.dma_semaphore, #tpu.memory_space<semaphore_mem>>) src(%dma_wait3A_88 : memref<13088xi32, #tpu.memory_space<hbm>>) dst(%arg5 : memref<13088xi32, #tpu.memory_space<vmem>>)
        tpu.yield
      }) : () -> ()
      %run_scoped3A_44 = arith.constant 0 : i32
      "tpu.region"() ({
        %run_scoped3A_82 = tpu.sem_alloc : memref<!tpu.dma_semaphore, #tpu.memory_space<semaphore_mem>>
        %dma_start3A = tpu.memref_slice %arg2[%run_scoped3A_44, %multiple_of3A_43] : memref<2x3350528xi32, #tpu.memory_space<hbm>> -> memref<1x13088xi32, #tpu.memory_space<hbm>>
        %dma_start3A_83 = tpu.memref_squeeze %dma_start3A : memref<1x13088xi32, #tpu.memory_space<hbm>> -> memref<13088xi32, #tpu.memory_space<hbm>>
        %dma_start3A_84 = tpu.memref_slice %arg2[%run_scoped3A_44, %multiple_of3A_43] : memref<2x3350528xi32, #tpu.memory_space<hbm>> -> memref<1x13088xi32, #tpu.memory_space<hbm>>
        %dma_start3A_85 = tpu.memref_squeeze %dma_start3A_84 : memref<1x13088xi32, #tpu.memory_space<hbm>> -> memref<13088xi32, #tpu.memory_space<hbm>>
        tpu.enqueue_dma source(%dma_start3A_85 : memref<13088xi32, #tpu.memory_space<hbm>>) target(%arg6 : memref<13088xi32, #tpu.memory_space<vmem>>) target_semaphore(%run_scoped3A_82 : memref<!tpu.dma_semaphore, #tpu.memory_space<semaphore_mem>>)
        %dma_wait3A = tpu.memref_slice %arg2[%run_scoped3A_44, %multiple_of3A_43] : memref<2x3350528xi32, #tpu.memory_space<hbm>> -> memref<1x13088xi32, #tpu.memory_space<hbm>>
        %dma_wait3A_86 = tpu.memref_squeeze %dma_wait3A : memref<1x13088xi32, #tpu.memory_space<hbm>> -> memref<13088xi32, #tpu.memory_space<hbm>>
        %dma_wait3A_87 = tpu.memref_slice %arg2[%run_scoped3A_44, %multiple_of3A_43] : memref<2x3350528xi32, #tpu.memory_space<hbm>> -> memref<1x13088xi32, #tpu.memory_space<hbm>>
        %dma_wait3A_88 = tpu.memref_squeeze %dma_wait3A_87 : memref<1x13088xi32, #tpu.memory_space<hbm>> -> memref<13088xi32, #tpu.memory_space<hbm>>
        tpu.wait_dma2 semaphore(%run_scoped3A_82 : memref<!tpu.dma_semaphore, #tpu.memory_space<semaphore_mem>>) src(%dma_wait3A_88 : memref<13088xi32, #tpu.memory_space<hbm>>) dst(%arg6 : memref<13088xi32, #tpu.memory_space<vmem>>)
        tpu.yield
      }) : () -> ()
      %broadcast_in_dim3A_45 = arith.constant 0 : i32
      %broadcast_in_dim3A_46 = vector.broadcast %broadcast_in_dim3A_45 : i32 to vector<16xi32>
      %scan3A_47 = arith.constant 0 : i32
      %scan3A_48 = arith.constant 409 : i32
      %scan3A_49 = arith.addi %scan3A_47, %scan3A_48 : i32
      %scan3A_50 = arith.constant 1 : i32
      %scan3A_51 = scf.for %scan3A_82 = %scan3A_47 to %scan3A_49 step %scan3A_50 iter_args(%scan3A_83 = %broadcast_in_dim3A_46) -> (vector<16xi32>)  : i32 {
        %mul3A_84 = arith.constant 32 : i32
        %mul3A_85 = arith.muli %scan3A_82, %mul3A_84 : i32
        %multiple_of3A_86 = tpu.assume_multiple %mul3A_85, 32 : i32
        %get3A_87 = arith.index_cast %multiple_of3A_86 : i32 to index
        %get3A_88 = tpu.vector_load %arg5[%get3A_87] {strides = array<i32>} : memref<13088xi32, #tpu.memory_space<vmem>>, vector<16xi32>,
        %add3A_89 = arith.constant 16 : i32
        %add3A_90 = arith.addi %multiple_of3A_86, %add3A_89 : i32
        %get3A_91 = arith.index_cast %add3A_90 : i32 to index
        %get3A_92 = tpu.vector_load %arg5[%get3A_91] {strides = array<i32>} : memref<13088xi32, #tpu.memory_space<vmem>>, vector<16xi32>,
        %ge3A = arith.constant 206336 : i32
        %ge3A_93 = vector.broadcast %ge3A : i32 to vector<16xi32>
        %ge3A_94 = arith.cmpi sge, %get3A_88, %ge3A_93 : vector<16xi32>
        %jit3A = arith.constant 1 : i32
        %jit3A_95 = arith.constant 0 : i32
        %broadcast_in_dim3A_96 = vector.broadcast %jit3A : i32 to vector<16xi32>
        %broadcast_in_dim3A_97 = vector.broadcast %jit3A_95 : i32 to vector<16xi32>
        %select_n3A = arith.select %ge3A_94, %broadcast_in_dim3A_96, %broadcast_in_dim3A_97 : vector<16xi1>, vector<16xi32>
        %broadcast_in_dim3A_98 = arith.constant true
        %broadcast_in_dim3A_99 = vector.broadcast %broadcast_in_dim3A_98 : i1 to vector<16xi1>
        %masked_cumsum3A = tpu.scan <sum>, %select_n3A masked %broadcast_in_dim3A_99 : vector<16xi32>, vector<16xi1> -> vector<16xi32>
        %add3A_100 = arith.addi %scan3A_83, %masked_cumsum3A : vector<16xi32>
        %sub3A = arith.constant 1 : i32
        %sub3A_101 = vector.broadcast %sub3A : i32 to vector<16xi32>
        %sub3A_102 = arith.subi %add3A_100, %sub3A_101 : vector<16xi32>
        %shift_right_logical3A_103 = arith.constant 7 : i32
        %shift_right_logical3A_104 = vector.broadcast %shift_right_logical3A_103 : i32 to vector<16xi32>
        %shift_right_logical3A_105 = arith.shrui %sub3A_102, %shift_right_logical3A_104 : vector<16xi32>
        %and3A_106 = arith.constant 127 : i32
        %and3A_107 = vector.broadcast %and3A_106 : i32 to vector<16xi32>
        %and3A_108 = arith.andi %sub3A_102, %and3A_107 : vector<16xi32>
        %get3A_109 = arith.index_cast %multiple_of3A_86 : i32 to index
        %get3A_110 = tpu.vector_load %arg6[%get3A_109] {strides = array<i32>} : memref<13088xi32, #tpu.memory_space<vmem>>, vector<16xi32>,
        %ge3A_111 = arith.constant 111104 : i32
        %ge3A_112 = vector.broadcast %ge3A_111 : i32 to vector<16xi32>
        %ge3A_113 = arith.cmpi sge, %get3A_110, %ge3A_112 : vector<16xi32>
        %jit3A_114 = arith.constant 2176 : i32
        %jit3A_115 = arith.constant 0 : i32
        %broadcast_in_dim3A_116 = vector.broadcast %jit3A_114 : i32 to vector<16xi32>
        %broadcast_in_dim3A_117 = vector.broadcast %jit3A_115 : i32 to vector<16xi32>
        %select_n3A_118 = arith.select %ge3A_113, %broadcast_in_dim3A_116, %broadcast_in_dim3A_117 : vector<16xi1>, vector<16xi32>
        %add3A_119 = arith.addi %get3A_110, %select_n3A_118 : vector<16xi32>
        %ge3A_120 = arith.constant 206336 : i32
        %ge3A_121 = vector.broadcast %ge3A_120 : i32 to vector<16xi32>
        %ge3A_122 = arith.cmpi sge, %get3A_110, %ge3A_121 : vector<16xi32>
        %jit3A_123 = arith.constant 2944 : i32
        %jit3A_124 = arith.constant 0 : i32
        %broadcast_in_dim3A_125 = vector.broadcast %jit3A_123 : i32 to vector<16xi32>
        %broadcast_in_dim3A_126 = vector.broadcast %jit3A_124 : i32 to vector<16xi32>
        %select_n3A_127 = arith.select %ge3A_122, %broadcast_in_dim3A_125, %broadcast_in_dim3A_126 : vector<16xi1>, vector<16xi32>
        %add3A_128 = arith.addi %add3A_119, %select_n3A_127 : vector<16xi32>
        %sub3A_129 = arith.constant 206336 : i32
        %sub3A_130 = vector.broadcast %sub3A_129 : i32 to vector<16xi32>
        %sub3A_131 = arith.subi %get3A_88, %sub3A_130 : vector<16xi32>
        tpu.vector_store_idx %arg7[%shift_right_logical3A_105, %and3A_108], %add3A_128 masked %ge3A_94 : memref<104x128xi32, #tpu.memory_space<vmem>>[vector<16xi32>, vector<16xi32>], vector<16xi32>, vector<16xi1>
        tpu.vector_store_idx %arg8[%shift_right_logical3A_105, %and3A_108], %sub3A_131 masked %ge3A_94 : memref<104x128xi32, #tpu.memory_space<vmem>>[vector<16xi32>, vector<16xi32>], vector<16xi32>, vector<16xi1>
        %all_reduce_population_count3A = tpu.all_reduce %ge3A_94 {dim = 0 : i64, kind = #tpu.reduction_kind<sum>} : vector<16xi1> -> vector<16xi32>
        %add3A_132 = arith.addi %scan3A_83, %all_reduce_population_count3A : vector<16xi32>
        %add3A_133 = arith.constant 16 : i32
        %add3A_134 = arith.addi %multiple_of3A_86, %add3A_133 : i32
        %ge3A_135 = arith.constant 206336 : i32
        %ge3A_136 = vector.broadcast %ge3A_135 : i32 to vector<16xi32>
        %ge3A_137 = arith.cmpi sge, %get3A_92, %ge3A_136 : vector<16xi32>
        %jit3A_138 = arith.constant 1 : i32
        %jit3A_139 = arith.constant 0 : i32
        %broadcast_in_dim3A_140 = vector.broadcast %jit3A_138 : i32 to vector<16xi32>
        %broadcast_in_dim3A_141 = vector.broadcast %jit3A_139 : i32 to vector<16xi32>
        %select_n3A_142 = arith.select %ge3A_137, %broadcast_in_dim3A_140, %broadcast_in_dim3A_141 : vector<16xi1>, vector<16xi32>
        %broadcast_in_dim3A_143 = arith.constant true
        %broadcast_in_dim3A_144 = vector.broadcast %broadcast_in_dim3A_143 : i1 to vector<16xi1>
        %masked_cumsum3A_145 = tpu.scan <sum>, %select_n3A_142 masked %broadcast_in_dim3A_144 : vector<16xi32>, vector<16xi1> -> vector<16xi32>
        %add3A_146 = arith.addi %add3A_132, %masked_cumsum3A_145 : vector<16xi32>
        %sub3A_147 = arith.constant 1 : i32
        %sub3A_148 = vector.broadcast %sub3A_147 : i32 to vector<16xi32>
        %sub3A_149 = arith.subi %add3A_146, %sub3A_148 : vector<16xi32>
        %shift_right_logical3A_150 = arith.constant 7 : i32
        %shift_right_logical3A_151 = vector.broadcast %shift_right_logical3A_150 : i32 to vector<16xi32>
        %shift_right_logical3A_152 = arith.shrui %sub3A_149, %shift_right_logical3A_151 : vector<16xi32>
        %and3A_153 = arith.constant 127 : i32
        %and3A_154 = vector.broadcast %and3A_153 : i32 to vector<16xi32>
        %and3A_155 = arith.andi %sub3A_149, %and3A_154 : vector<16xi32>
        %get3A_156 = arith.index_cast %add3A_134 : i32 to index
        %get3A_157 = tpu.vector_load %arg6[%get3A_156] {strides = array<i32>} : memref<13088xi32, #tpu.memory_space<vmem>>, vector<16xi32>,
        %ge3A_158 = arith.constant 111104 : i32
        %ge3A_159 = vector.broadcast %ge3A_158 : i32 to vector<16xi32>
        %ge3A_160 = arith.cmpi sge, %get3A_157, %ge3A_159 : vector<16xi32>
        %jit3A_161 = arith.constant 2176 : i32
        %jit3A_162 = arith.constant 0 : i32
        %broadcast_in_dim3A_163 = vector.broadcast %jit3A_161 : i32 to vector<16xi32>
        %broadcast_in_dim3A_164 = vector.broadcast %jit3A_162 : i32 to vector<16xi32>
        %select_n3A_165 = arith.select %ge3A_160, %broadcast_in_dim3A_163, %broadcast_in_dim3A_164 : vector<16xi1>, vector<16xi32>
        %add3A_166 = arith.addi %get3A_157, %select_n3A_165 : vector<16xi32>
        %ge3A_167 = arith.constant 206336 : i32
        %ge3A_168 = vector.broadcast %ge3A_167 : i32 to vector<16xi32>
        %ge3A_169 = arith.cmpi sge, %get3A_157, %ge3A_168 : vector<16xi32>
        %jit3A_170 = arith.constant 2944 : i32
        %jit3A_171 = arith.constant 0 : i32
        %broadcast_in_dim3A_172 = vector.broadcast %jit3A_170 : i32 to vector<16xi32>
        %broadcast_in_dim3A_173 = vector.broadcast %jit3A_171 : i32 to vector<16xi32>
        %select_n3A_174 = arith.select %ge3A_169, %broadcast_in_dim3A_172, %broadcast_in_dim3A_173 : vector<16xi1>, vector<16xi32>
        %add3A_175 = arith.addi %add3A_166, %select_n3A_174 : vector<16xi32>
        %sub3A_176 = arith.constant 206336 : i32
        %sub3A_177 = vector.broadcast %sub3A_176 : i32 to vector<16xi32>
        %sub3A_178 = arith.subi %get3A_92, %sub3A_177 : vector<16xi32>
        tpu.vector_store_idx %arg7[%shift_right_logical3A_152, %and3A_155], %add3A_175 masked %ge3A_137 : memref<104x128xi32, #tpu.memory_space<vmem>>[vector<16xi32>, vector<16xi32>], vector<16xi32>, vector<16xi1>
        tpu.vector_store_idx %arg8[%shift_right_logical3A_152, %and3A_155], %sub3A_178 masked %ge3A_137 : memref<104x128xi32, #tpu.memory_space<vmem>>[vector<16xi32>, vector<16xi32>], vector<16xi32>, vector<16xi1>
        %all_reduce_population_count3A_179 = tpu.all_reduce %ge3A_137 {dim = 0 : i64, kind = #tpu.reduction_kind<sum>} : vector<16xi1> -> vector<16xi32>
        %add3A_180 = arith.addi %add3A_132, %all_reduce_population_count3A_179 : vector<16xi32>
        scf.yield %add3A_180 : vector<16xi32>
      }
      %scan3A_52 = arith.constant 409 : i32
      %swap3A = arith.constant 0 : index
      %swap3A_53 = tpu.vector_load %arg13[%swap3A] {strides = array<i32>} : memref<16xi32, #tpu.memory_space<vmem>>, vector<16xi32>,
      tpu.vector_store %arg13[%swap3A], %scan3A_51 {strides = array<i32>} : memref<16xi32, #tpu.memory_space<vmem>>, vector<16xi32>,
      %get3A = arith.constant 0 : index
      %get3A_54 = tpu.vector_load %arg13[%get3A] {strides = array<i32>} : memref<16xi32, #tpu.memory_space<vmem>>, vector<16xi32>,
      %add3A_55 = arith.constant 127 : i32
      %add3A_56 = vector.broadcast %add3A_55 : i32 to vector<16xi32>
      %add3A_57 = arith.addi %get3A_54, %add3A_56 : vector<16xi32>
      %and3A = arith.constant -128 : i32
      %and3A_58 = vector.broadcast %and3A : i32 to vector<16xi32>
      %and3A_59 = arith.andi %add3A_57, %and3A_58 : vector<16xi32>
      %add3A_60 = arith.addi %get3A_54, %iota3A : vector<16xi32>
      %scan3A_61 = arith.constant 0 : i32
      %scan3A_62 = arith.constant 8 : i32
      %scan3A_63 = arith.addi %scan3A_61, %scan3A_62 : i32
      %scan3A_64 = arith.constant 1 : i32
      %scan3A_65 = scf.for %scan3A_82 = %scan3A_61 to %scan3A_63 step %scan3A_64 iter_args(%scan3A_83 = %add3A_60) -> (vector<16xi32>)  : i32 {
        %lt3A = arith.cmpi slt, %scan3A_83, %and3A_59 : vector<16xi32>
        %shift_right_logical3A_84 = arith.constant 7 : i32
        %shift_right_logical3A_85 = vector.broadcast %shift_right_logical3A_84 : i32 to vector<16xi32>
        %shift_right_logical3A_86 = arith.shrui %scan3A_83, %shift_right_logical3A_85 : vector<16xi32>
        %and3A_87 = arith.constant 127 : i32
        %and3A_88 = vector.broadcast %and3A_87 : i32 to vector<16xi32>
        %and3A_89 = arith.andi %scan3A_83, %and3A_88 : vector<16xi32>
        %broadcast_in_dim3A_90 = arith.constant 0 : i32
        %broadcast_in_dim3A_91 = vector.broadcast %broadcast_in_dim3A_90 : i32 to vector<16xi32>
        tpu.vector_store_idx %arg7[%shift_right_logical3A_86, %and3A_89], %broadcast_in_dim3A_91 masked %lt3A : memref<104x128xi32, #tpu.memory_space<vmem>>[vector<16xi32>, vector<16xi32>], vector<16xi32>, vector<16xi1>
        %broadcast_in_dim3A_92 = arith.constant 3072 : i32
        %broadcast_in_dim3A_93 = vector.broadcast %broadcast_in_dim3A_92 : i32 to vector<16xi32>
        tpu.vector_store_idx %arg8[%shift_right_logical3A_86, %and3A_89], %broadcast_in_dim3A_93 masked %lt3A : memref<104x128xi32, #tpu.memory_space<vmem>>[vector<16xi32>, vector<16xi32>], vector<16xi32>, vector<16xi1>
        %add3A_94 = arith.constant 16 : i32
        %add3A_95 = vector.broadcast %add3A_94 : i32 to vector<16xi32>
        %add3A_96 = arith.addi %scan3A_83, %add3A_95 : vector<16xi32>
        scf.yield %add3A_96 : vector<16xi32>
      }
      %scan3A_66 = arith.constant 8 : i32
      %slice3A = vector.extract_strided_slice %and3A_59 {offsets = [0], sizes = [1], strides = [1]} : vector<16xi32> to vector<1xi32>
      %squeeze3A = vector.extract %slice3A[0] : i32 from vector<1xi32>
      %shift_right_logical3A = arith.constant 7 : i32
      %shift_right_logical3A_67 = arith.shrui %squeeze3A, %shift_right_logical3A : i32
      %gt3A = arith.constant 0 : i32
      %gt3A_68 = arith.cmpi sgt, %shift_right_logical3A_67, %gt3A : i32
      %convert_element_type3A = arith.extui %gt3A_68 : i1 to i32
      %cond3A = arith.constant 0 : i32
      %cond3A_69 = arith.cmpi ne, %convert_element_type3A, %cond3A : i32
      scf.if %cond3A_69 {
        %dma_start3A = arith.constant 0 : i32
        %dma_start3A_82 = arith.constant 0 : i32
        %dma_start3A_83 = tpu.memref_slice %arg7[%dma_start3A, %dma_start3A_82] : memref<104x128xi32, #tpu.memory_space<vmem>> -> memref<1x128xi32, #tpu.memory_space<vmem>>
        %dma_start3A_84 = tpu.memref_squeeze %dma_start3A_83 : memref<1x128xi32, #tpu.memory_space<vmem>> -> memref<128xi32, #tpu.memory_space<vmem>>
        %dma_start3A_85 = arith.constant 0 : i32
        %dma_start3A_86 = arith.constant 0 : i32
        %dma_start3A_87 = tpu.memref_slice %arg3[%dma_start3A_85, %dma_start3A_86] : memref<219008x32xf32, #tpu.memory_space<hbm>> -> memref<219008x32xf32, #tpu.memory_space<hbm>>
        tpu.enqueue_indirect_dma source(%dma_start3A_87 : memref<219008x32xf32, #tpu.memory_space<hbm>>) target(%arg9 : memref<128x32xf32, #tpu.memory_space<vmem>>) offsets(%dma_start3A_84 : memref<128xi32, #tpu.memory_space<vmem>>) semaphore(%arg15 : memref<!tpu.dma_semaphore, #tpu.memory_space<semaphore_mem>>)
      } else {
      }
      %while3A = arith.constant 0 : i32
      %while3A_70 = arith.constant 0 : i32
      %while3A_71 = arith.subi %shift_right_logical3A_67, %while3A : i32
      %while3A_72 = arith.addi %while3A, %while3A_71 : i32
      %while3A_73 = arith.constant 1 : i32
      %while3A_74 = arith.divsi %while3A_71, %while3A_73 : i32
      %while3A_75 = arith.muli %while3A_74, %while3A_73 : i32
      %while3A_76 = arith.addi %while3A, %while3A_75 : i32
      %while3A_77 = arith.constant 1 : i32
      %while3A_78 = scf.for %while3A_82 = %while3A to %while3A_76 step %while3A_77 iter_args(%while3A_83 = %while3A_70) -> (i32)  : i32 {
        %and3A_84 = arith.constant 1 : i32
        %and3A_85 = arith.andi %while3A_82, %and3A_84 : i32
        %eq3A = arith.constant 0 : i32
        %eq3A_86 = arith.cmpi eq, %and3A_85, %eq3A : i32
        %convert_element_type3A_87 = arith.extui %eq3A_86 : i1 to i32
        %cond3A_88 = arith.constant 0 : i32
        %cond3A_89 = arith.cmpi ne, %convert_element_type3A_87, %cond3A_88 : i32
        scf.if %cond3A_89 {
          %dma_wait3A = arith.constant 0 : i32
          %dma_wait3A_95 = arith.constant 0 : i32
          %dma_wait3A_96 = tpu.memref_slice %arg7[%dma_wait3A, %dma_wait3A_95] : memref<104x128xi32, #tpu.memory_space<vmem>> -> memref<1x128xi32, #tpu.memory_space<vmem>>
          %dma_wait3A_97 = tpu.memref_squeeze %dma_wait3A_96 : memref<1x128xi32, #tpu.memory_space<vmem>> -> memref<128xi32, #tpu.memory_space<vmem>>
          %dma_wait3A_98 = arith.constant 0 : i32
          %dma_wait3A_99 = arith.constant 0 : i32
          %dma_wait3A_100 = tpu.memref_slice %arg3[%dma_wait3A_98, %dma_wait3A_99] : memref<219008x32xf32, #tpu.memory_space<hbm>> -> memref<219008x32xf32, #tpu.memory_space<hbm>>
          tpu.wait_indirect_dma semaphore(%arg15 : memref<!tpu.dma_semaphore, #tpu.memory_space<semaphore_mem>>) src(%dma_wait3A_100 : memref<219008x32xf32, #tpu.memory_space<hbm>>) dst(%arg9 : memref<128x32xf32, #tpu.memory_space<vmem>>)
          %add3A_101 = arith.constant 1 : i32
          %add3A_102 = arith.addi %while3A_82, %add3A_101 : i32
          %lt3A = arith.cmpi slt, %add3A_102, %shift_right_logical3A_67 : i32
          %convert_element_type3A_103 = arith.extui %lt3A : i1 to i32
          %cond3A_104 = arith.constant 0 : i32
          %cond3A_105 = arith.cmpi ne, %convert_element_type3A_103, %cond3A_104 : i32
          scf.if %cond3A_105 {
            %add3A_113 = arith.constant 1 : i32
            %add3A_114 = arith.addi %while3A_82, %add3A_113 : i32
            %dma_start3A = arith.constant 0 : i32
            %dma_start3A_115 = tpu.memref_slice %arg7[%add3A_114, %dma_start3A] : memref<104x128xi32, #tpu.memory_space<vmem>> -> memref<1x128xi32, #tpu.memory_space<vmem>>
            %dma_start3A_116 = tpu.memref_squeeze %dma_start3A_115 : memref<1x128xi32, #tpu.memory_space<vmem>> -> memref<128xi32, #tpu.memory_space<vmem>>
            %dma_start3A_117 = arith.constant 0 : i32
            %dma_start3A_118 = arith.constant 0 : i32
            %dma_start3A_119 = tpu.memref_slice %arg3[%dma_start3A_117, %dma_start3A_118] : memref<219008x32xf32, #tpu.memory_space<hbm>> -> memref<219008x32xf32, #tpu.memory_space<hbm>>
            tpu.enqueue_indirect_dma source(%dma_start3A_119 : memref<219008x32xf32, #tpu.memory_space<hbm>>) target(%arg10 : memref<128x32xf32, #tpu.memory_space<vmem>>) offsets(%dma_start3A_116 : memref<128xi32, #tpu.memory_space<vmem>>) semaphore(%arg16 : memref<!tpu.dma_semaphore, #tpu.memory_space<semaphore_mem>>)
          } else {
          }
          %scan3A_106 = arith.constant 0 : i32
          %scan3A_107 = arith.constant 0 : i32
          %scan3A_108 = arith.constant 32 : i32
          %scan3A_109 = arith.addi %scan3A_107, %scan3A_108 : i32
          %scan3A_110 = arith.constant 1 : i32
          %scan3A_111 = scf.for %scan3A_113 = %scan3A_107 to %scan3A_109 step %scan3A_110 iter_args(%scan3A_114 = %scan3A_106) -> (i32)  : i32 {
            %mul3A_115 = arith.constant 4 : i32
            %mul3A_116 = arith.muli %scan3A_113, %mul3A_115 : i32
            %multiple_of3A_117 = tpu.assume_multiple %mul3A_116, 4 : i32
            %add3A_118 = arith.constant 0 : i32
            %add3A_119 = arith.addi %multiple_of3A_117, %add3A_118 : i32
            %get3A_120 = arith.index_cast %add3A_119 : i32 to index
            %get3A_121 = arith.constant 0 : index
            %get3A_122 = tpu.vector_load %arg9[%get3A_120, %get3A_121] {strides = array<i32>} : memref<128x32xf32, #tpu.memory_space<vmem>>, vector<16xf32>,
            %add3A_123 = arith.constant 0 : i32
            %add3A_124 = arith.addi %multiple_of3A_117, %add3A_123 : i32
            %swap3A_125 = arith.index_cast %add3A_124 : i32 to index
            %swap3A_126 = arith.constant 0 : index
            %swap3A_127 = tpu.vector_load %arg11[%swap3A_125, %swap3A_126] {strides = array<i32>} : memref<128x48xf32, #tpu.memory_space<vmem>>, vector<16xf32>,
            tpu.vector_store %arg11[%swap3A_125, %swap3A_126], %get3A_122 {strides = array<i32>} : memref<128x48xf32, #tpu.memory_space<vmem>>, vector<16xf32>,
            %add3A_128 = arith.constant 0 : i32
            %add3A_129 = arith.addi %multiple_of3A_117, %add3A_128 : i32
            %get3A_130 = arith.index_cast %add3A_129 : i32 to index
            %get3A_131 = arith.constant 16 : index
            %get3A_132 = tpu.vector_load %arg9[%get3A_130, %get3A_131] {strides = array<i32>} : memref<128x32xf32, #tpu.memory_space<vmem>>, vector<16xf32>,
            %add3A_133 = arith.constant 0 : i32
            %add3A_134 = arith.addi %multiple_of3A_117, %add3A_133 : i32
            %swap3A_135 = arith.index_cast %add3A_134 : i32 to index
            %swap3A_136 = arith.constant 16 : index
            %swap3A_137 = tpu.vector_load %arg11[%swap3A_135, %swap3A_136] {strides = array<i32>} : memref<128x48xf32, #tpu.memory_space<vmem>>, vector<16xf32>,
            tpu.vector_store %arg11[%swap3A_135, %swap3A_136], %get3A_132 {strides = array<i32>} : memref<128x48xf32, #tpu.memory_space<vmem>>, vector<16xf32>,
            %add3A_138 = arith.constant 1 : i32
            %add3A_139 = arith.addi %multiple_of3A_117, %add3A_138 : i32
            %get3A_140 = arith.index_cast %add3A_139 : i32 to index
            %get3A_141 = arith.constant 0 : index
            %get3A_142 = tpu.vector_load %arg9[%get3A_140, %get3A_141] {strides = array<i32>} : memref<128x32xf32, #tpu.memory_space<vmem>>, vector<16xf32>,
            %add3A_143 = arith.constant 1 : i32
            %add3A_144 = arith.addi %multiple_of3A_117, %add3A_143 : i32
            %swap3A_145 = arith.index_cast %add3A_144 : i32 to index
            %swap3A_146 = arith.constant 0 : index
            %swap3A_147 = tpu.vector_load %arg11[%swap3A_145, %swap3A_146] {strides = array<i32>} : memref<128x48xf32, #tpu.memory_space<vmem>>, vector<16xf32>,
            tpu.vector_store %arg11[%swap3A_145, %swap3A_146], %get3A_142 {strides = array<i32>} : memref<128x48xf32, #tpu.memory_space<vmem>>, vector<16xf32>,
            %add3A_148 = arith.constant 1 : i32
            %add3A_149 = arith.addi %multiple_of3A_117, %add3A_148 : i32
            %get3A_150 = arith.index_cast %add3A_149 : i32 to index
            %get3A_151 = arith.constant 16 : index
            %get3A_152 = tpu.vector_load %arg9[%get3A_150, %get3A_151] {strides = array<i32>} : memref<128x32xf32, #tpu.memory_space<vmem>>, vector<16xf32>,
            %add3A_153 = arith.constant 1 : i32
            %add3A_154 = arith.addi %multiple_of3A_117, %add3A_153 : i32
            %swap3A_155 = arith.index_cast %add3A_154 : i32 to index
            %swap3A_156 = arith.constant 16 : index
            %swap3A_157 = tpu.vector_load %arg11[%swap3A_155, %swap3A_156] {strides = array<i32>} : memref<128x48xf32, #tpu.memory_space<vmem>>, vector<16xf32>,
            tpu.vector_store %arg11[%swap3A_155, %swap3A_156], %get3A_152 {strides = array<i32>} : memref<128x48xf32, #tpu.memory_space<vmem>>, vector<16xf32>,
            %add3A_158 = arith.constant 2 : i32
            %add3A_159 = arith.addi %multiple_of3A_117, %add3A_158 : i32
            %get3A_160 = arith.index_cast %add3A_159 : i32 to index
            %get3A_161 = arith.constant 0 : index
            %get3A_162 = tpu.vector_load %arg9[%get3A_160, %get3A_161] {strides = array<i32>} : memref<128x32xf32, #tpu.memory_space<vmem>>, vector<16xf32>,
            %add3A_163 = arith.constant 2 : i32
            %add3A_164 = arith.addi %multiple_of3A_117, %add3A_163 : i32
            %swap3A_165 = arith.index_cast %add3A_164 : i32 to index
            %swap3A_166 = arith.constant 0 : index
            %swap3A_167 = tpu.vector_load %arg11[%swap3A_165, %swap3A_166] {strides = array<i32>} : memref<128x48xf32, #tpu.memory_space<vmem>>, vector<16xf32>,
            tpu.vector_store %arg11[%swap3A_165, %swap3A_166], %get3A_162 {strides = array<i32>} : memref<128x48xf32, #tpu.memory_space<vmem>>, vector<16xf32>,
            %add3A_168 = arith.constant 2 : i32
            %add3A_169 = arith.addi %multiple_of3A_117, %add3A_168 : i32
            %get3A_170 = arith.index_cast %add3A_169 : i32 to index
            %get3A_171 = arith.constant 16 : index
            %get3A_172 = tpu.vector_load %arg9[%get3A_170, %get3A_171] {strides = array<i32>} : memref<128x32xf32, #tpu.memory_space<vmem>>, vector<16xf32>,
            %add3A_173 = arith.constant 2 : i32
            %add3A_174 = arith.addi %multiple_of3A_117, %add3A_173 : i32
            %swap3A_175 = arith.index_cast %add3A_174 : i32 to index
            %swap3A_176 = arith.constant 16 : index
            %swap3A_177 = tpu.vector_load %arg11[%swap3A_175, %swap3A_176] {strides = array<i32>} : memref<128x48xf32, #tpu.memory_space<vmem>>, vector<16xf32>,
            tpu.vector_store %arg11[%swap3A_175, %swap3A_176], %get3A_172 {strides = array<i32>} : memref<128x48xf32, #tpu.memory_space<vmem>>, vector<16xf32>,
            %add3A_178 = arith.constant 3 : i32
            %add3A_179 = arith.addi %multiple_of3A_117, %add3A_178 : i32
            %get3A_180 = arith.index_cast %add3A_179 : i32 to index
            %get3A_181 = arith.constant 0 : index
            %get3A_182 = tpu.vector_load %arg9[%get3A_180, %get3A_181] {strides = array<i32>} : memref<128x32xf32, #tpu.memory_space<vmem>>, vector<16xf32>,
            %add3A_183 = arith.constant 3 : i32
            %add3A_184 = arith.addi %multiple_of3A_117, %add3A_183 : i32
            %swap3A_185 = arith.index_cast %add3A_184 : i32 to index
            %swap3A_186 = arith.constant 0 : index
            %swap3A_187 = tpu.vector_load %arg11[%swap3A_185, %swap3A_186] {strides = array<i32>} : memref<128x48xf32, #tpu.memory_space<vmem>>, vector<16xf32>,
            tpu.vector_store %arg11[%swap3A_185, %swap3A_186], %get3A_182 {strides = array<i32>} : memref<128x48xf32, #tpu.memory_space<vmem>>, vector<16xf32>,
            %add3A_188 = arith.constant 3 : i32
            %add3A_189 = arith.addi %multiple_of3A_117, %add3A_188 : i32
            %get3A_190 = arith.index_cast %add3A_189 : i32 to index
            %get3A_191 = arith.constant 16 : index
            %get3A_192 = tpu.vector_load %arg9[%get3A_190, %get3A_191] {strides = array<i32>} : memref<128x32xf32, #tpu.memory_space<vmem>>, vector<16xf32>,
            %add3A_193 = arith.constant 3 : i32
            %add3A_194 = arith.addi %multiple_of3A_117, %add3A_193 : i32
            %swap3A_195 = arith.index_cast %add3A_194 : i32 to index
            %swap3A_196 = arith.constant 16 : index
            %swap3A_197 = tpu.vector_load %arg11[%swap3A_195, %swap3A_196] {strides = array<i32>} : memref<128x48xf32, #tpu.memory_space<vmem>>, vector<16xf32>,
            tpu.vector_store %arg11[%swap3A_195, %swap3A_196], %get3A_192 {strides = array<i32>} : memref<128x48xf32, #tpu.memory_space<vmem>>, vector<16xf32>,
            %scan3A_198 = arith.constant 0 : i32
            scf.yield %scan3A_198 : i32
          }
          %scan3A_112 = arith.constant 32 : i32
          "tpu.region"() ({
            %run_scoped3A_113 = tpu.sem_alloc : memref<!tpu.dma_semaphore, #tpu.memory_space<semaphore_mem>>
            %dma_start3A = arith.constant 0 : i32
            %dma_start3A_114 = tpu.memref_slice %arg8[%while3A_82, %dma_start3A] : memref<104x128xi32, #tpu.memory_space<vmem>> -> memref<1x128xi32, #tpu.memory_space<vmem>>
            %dma_start3A_115 = tpu.memref_squeeze %dma_start3A_114 : memref<1x128xi32, #tpu.memory_space<vmem>> -> memref<128xi32, #tpu.memory_space<vmem>>
            %dma_start3A_116 = arith.constant 0 : i32
            %dma_start3A_117 = arith.constant 0 : i32
            %dma_start3A_118 = tpu.memref_slice %arg14[%dma_start3A_116, %dma_start3A_117] : memref<3088x48xf32, #tpu.memory_space<vmem_shared>> -> memref<3088x48xf32, #tpu.memory_space<vmem_shared>>
            tpu.enqueue_indirect_dma source(%arg11 : memref<128x48xf32, #tpu.memory_space<vmem>>) target(%dma_start3A_118 : memref<3088x48xf32, #tpu.memory_space<vmem_shared>>) offsets(%dma_start3A_115 : memref<128xi32, #tpu.memory_space<vmem>>) semaphore(%run_scoped3A_113 : memref<!tpu.dma_semaphore, #tpu.memory_space<semaphore_mem>>) {add = true}
            %dma_wait3A_119 = arith.constant 0 : i32
            %dma_wait3A_120 = tpu.memref_slice %arg8[%while3A_82, %dma_wait3A_119] : memref<104x128xi32, #tpu.memory_space<vmem>> -> memref<1x128xi32, #tpu.memory_space<vmem>>
            %dma_wait3A_121 = tpu.memref_squeeze %dma_wait3A_120 : memref<1x128xi32, #tpu.memory_space<vmem>> -> memref<128xi32, #tpu.memory_space<vmem>>
            %dma_wait3A_122 = arith.constant 0 : i32
            %dma_wait3A_123 = arith.constant 0 : i32
            %dma_wait3A_124 = tpu.memref_slice %arg14[%dma_wait3A_122, %dma_wait3A_123] : memref<3088x48xf32, #tpu.memory_space<vmem_shared>> -> memref<3088x48xf32, #tpu.memory_space<vmem_shared>>
            tpu.wait_indirect_dma semaphore(%run_scoped3A_113 : memref<!tpu.dma_semaphore, #tpu.memory_space<semaphore_mem>>) src(%arg11 : memref<128x48xf32, #tpu.memory_space<vmem>>) dst(%dma_wait3A_124 : memref<3088x48xf32, #tpu.memory_space<vmem_shared>>)
            tpu.yield
          }) : () -> ()
        } else {
        }
        %not3A = arith.constant true
        %not3A_90 = arith.xori %eq3A_86, %not3A : i1
        %convert_element_type3A_91 = arith.extui %not3A_90 : i1 to i32
        %cond3A_92 = arith.constant 0 : i32
        %cond3A_93 = arith.cmpi ne, %convert_element_type3A_91, %cond3A_92 : i32
        scf.if %cond3A_93 {
          %dma_wait3A = arith.constant 0 : i32
          %dma_wait3A_95 = arith.constant 0 : i32
          %dma_wait3A_96 = tpu.memref_slice %arg7[%dma_wait3A, %dma_wait3A_95] : memref<104x128xi32, #tpu.memory_space<vmem>> -> memref<1x128xi32, #tpu.memory_space<vmem>>
          %dma_wait3A_97 = tpu.memref_squeeze %dma_wait3A_96 : memref<1x128xi32, #tpu.memory_space<vmem>> -> memref<128xi32, #tpu.memory_space<vmem>>
          %dma_wait3A_98 = arith.constant 0 : i32
          %dma_wait3A_99 = arith.constant 0 : i32
          %dma_wait3A_100 = tpu.memref_slice %arg3[%dma_wait3A_98, %dma_wait3A_99] : memref<219008x32xf32, #tpu.memory_space<hbm>> -> memref<219008x32xf32, #tpu.memory_space<hbm>>
          tpu.wait_indirect_dma semaphore(%arg16 : memref<!tpu.dma_semaphore, #tpu.memory_space<semaphore_mem>>) src(%dma_wait3A_100 : memref<219008x32xf32, #tpu.memory_space<hbm>>) dst(%arg10 : memref<128x32xf32, #tpu.memory_space<vmem>>)
          %add3A_101 = arith.constant 1 : i32
          %add3A_102 = arith.addi %while3A_82, %add3A_101 : i32
          %lt3A = arith.cmpi slt, %add3A_102, %shift_right_logical3A_67 : i32
          %convert_element_type3A_103 = arith.extui %lt3A : i1 to i32
          %cond3A_104 = arith.constant 0 : i32
          %cond3A_105 = arith.cmpi ne, %convert_element_type3A_103, %cond3A_104 : i32
          scf.if %cond3A_105 {
            %add3A_113 = arith.constant 1 : i32
            %add3A_114 = arith.addi %while3A_82, %add3A_113 : i32
            %dma_start3A = arith.constant 0 : i32
            %dma_start3A_115 = tpu.memref_slice %arg7[%add3A_114, %dma_start3A] : memref<104x128xi32, #tpu.memory_space<vmem>> -> memref<1x128xi32, #tpu.memory_space<vmem>>
            %dma_start3A_116 = tpu.memref_squeeze %dma_start3A_115 : memref<1x128xi32, #tpu.memory_space<vmem>> -> memref<128xi32, #tpu.memory_space<vmem>>
            %dma_start3A_117 = arith.constant 0 : i32
            %dma_start3A_118 = arith.constant 0 : i32
            %dma_start3A_119 = tpu.memref_slice %arg3[%dma_start3A_117, %dma_start3A_118] : memref<219008x32xf32, #tpu.memory_space<hbm>> -> memref<219008x32xf32, #tpu.memory_space<hbm>>
            tpu.enqueue_indirect_dma source(%dma_start3A_119 : memref<219008x32xf32, #tpu.memory_space<hbm>>) target(%arg9 : memref<128x32xf32, #tpu.memory_space<vmem>>) offsets(%dma_start3A_116 : memref<128xi32, #tpu.memory_space<vmem>>) semaphore(%arg15 : memref<!tpu.dma_semaphore, #tpu.memory_space<semaphore_mem>>)
          } else {
          }
          %scan3A_106 = arith.constant 0 : i32
          %scan3A_107 = arith.constant 0 : i32
          %scan3A_108 = arith.constant 32 : i32
          %scan3A_109 = arith.addi %scan3A_107, %scan3A_108 : i32
          %scan3A_110 = arith.constant 1 : i32
          %scan3A_111 = scf.for %scan3A_113 = %scan3A_107 to %scan3A_109 step %scan3A_110 iter_args(%scan3A_114 = %scan3A_106) -> (i32)  : i32 {
            %mul3A_115 = arith.constant 4 : i32
            %mul3A_116 = arith.muli %scan3A_113, %mul3A_115 : i32
            %multiple_of3A_117 = tpu.assume_multiple %mul3A_116, 4 : i32
            %add3A_118 = arith.constant 0 : i32
            %add3A_119 = arith.addi %multiple_of3A_117, %add3A_118 : i32
            %get3A_120 = arith.index_cast %add3A_119 : i32 to index
            %get3A_121 = arith.constant 0 : index
            %get3A_122 = tpu.vector_load %arg10[%get3A_120, %get3A_121] {strides = array<i32>} : memref<128x32xf32, #tpu.memory_space<vmem>>, vector<16xf32>,
            %add3A_123 = arith.constant 0 : i32
            %add3A_124 = arith.addi %multiple_of3A_117, %add3A_123 : i32
            %swap3A_125 = arith.index_cast %add3A_124 : i32 to index
            %swap3A_126 = arith.constant 0 : index
            %swap3A_127 = tpu.vector_load %arg11[%swap3A_125, %swap3A_126] {strides = array<i32>} : memref<128x48xf32, #tpu.memory_space<vmem>>, vector<16xf32>,
            tpu.vector_store %arg11[%swap3A_125, %swap3A_126], %get3A_122 {strides = array<i32>} : memref<128x48xf32, #tpu.memory_space<vmem>>, vector<16xf32>,
            %add3A_128 = arith.constant 0 : i32
            %add3A_129 = arith.addi %multiple_of3A_117, %add3A_128 : i32
            %get3A_130 = arith.index_cast %add3A_129 : i32 to index
            %get3A_131 = arith.constant 16 : index
            %get3A_132 = tpu.vector_load %arg10[%get3A_130, %get3A_131] {strides = array<i32>} : memref<128x32xf32, #tpu.memory_space<vmem>>, vector<16xf32>,
            %add3A_133 = arith.constant 0 : i32
            %add3A_134 = arith.addi %multiple_of3A_117, %add3A_133 : i32
            %swap3A_135 = arith.index_cast %add3A_134 : i32 to index
            %swap3A_136 = arith.constant 16 : index
            %swap3A_137 = tpu.vector_load %arg11[%swap3A_135, %swap3A_136] {strides = array<i32>} : memref<128x48xf32, #tpu.memory_space<vmem>>, vector<16xf32>,
            tpu.vector_store %arg11[%swap3A_135, %swap3A_136], %get3A_132 {strides = array<i32>} : memref<128x48xf32, #tpu.memory_space<vmem>>, vector<16xf32>,
            %add3A_138 = arith.constant 1 : i32
            %add3A_139 = arith.addi %multiple_of3A_117, %add3A_138 : i32
            %get3A_140 = arith.index_cast %add3A_139 : i32 to index
            %get3A_141 = arith.constant 0 : index
            %get3A_142 = tpu.vector_load %arg10[%get3A_140, %get3A_141] {strides = array<i32>} : memref<128x32xf32, #tpu.memory_space<vmem>>, vector<16xf32>,
            %add3A_143 = arith.constant 1 : i32
            %add3A_144 = arith.addi %multiple_of3A_117, %add3A_143 : i32
            %swap3A_145 = arith.index_cast %add3A_144 : i32 to index
            %swap3A_146 = arith.constant 0 : index
            %swap3A_147 = tpu.vector_load %arg11[%swap3A_145, %swap3A_146] {strides = array<i32>} : memref<128x48xf32, #tpu.memory_space<vmem>>, vector<16xf32>,
            tpu.vector_store %arg11[%swap3A_145, %swap3A_146], %get3A_142 {strides = array<i32>} : memref<128x48xf32, #tpu.memory_space<vmem>>, vector<16xf32>,
            %add3A_148 = arith.constant 1 : i32
            %add3A_149 = arith.addi %multiple_of3A_117, %add3A_148 : i32
            %get3A_150 = arith.index_cast %add3A_149 : i32 to index
            %get3A_151 = arith.constant 16 : index
            %get3A_152 = tpu.vector_load %arg10[%get3A_150, %get3A_151] {strides = array<i32>} : memref<128x32xf32, #tpu.memory_space<vmem>>, vector<16xf32>,
            %add3A_153 = arith.constant 1 : i32
            %add3A_154 = arith.addi %multiple_of3A_117, %add3A_153 : i32
            %swap3A_155 = arith.index_cast %add3A_154 : i32 to index
            %swap3A_156 = arith.constant 16 : index
            %swap3A_157 = tpu.vector_load %arg11[%swap3A_155, %swap3A_156] {strides = array<i32>} : memref<128x48xf32, #tpu.memory_space<vmem>>, vector<16xf32>,
            tpu.vector_store %arg11[%swap3A_155, %swap3A_156], %get3A_152 {strides = array<i32>} : memref<128x48xf32, #tpu.memory_space<vmem>>, vector<16xf32>,
            %add3A_158 = arith.constant 2 : i32
            %add3A_159 = arith.addi %multiple_of3A_117, %add3A_158 : i32
            %get3A_160 = arith.index_cast %add3A_159 : i32 to index
            %get3A_161 = arith.constant 0 : index
            %get3A_162 = tpu.vector_load %arg10[%get3A_160, %get3A_161] {strides = array<i32>} : memref<128x32xf32, #tpu.memory_space<vmem>>, vector<16xf32>,
            %add3A_163 = arith.constant 2 : i32
            %add3A_164 = arith.addi %multiple_of3A_117, %add3A_163 : i32
            %swap3A_165 = arith.index_cast %add3A_164 : i32 to index
            %swap3A_166 = arith.constant 0 : index
            %swap3A_167 = tpu.vector_load %arg11[%swap3A_165, %swap3A_166] {strides = array<i32>} : memref<128x48xf32, #tpu.memory_space<vmem>>, vector<16xf32>,
            tpu.vector_store %arg11[%swap3A_165, %swap3A_166], %get3A_162 {strides = array<i32>} : memref<128x48xf32, #tpu.memory_space<vmem>>, vector<16xf32>,
            %add3A_168 = arith.constant 2 : i32
            %add3A_169 = arith.addi %multiple_of3A_117, %add3A_168 : i32
            %get3A_170 = arith.index_cast %add3A_169 : i32 to index
            %get3A_171 = arith.constant 16 : index
            %get3A_172 = tpu.vector_load %arg10[%get3A_170, %get3A_171] {strides = array<i32>} : memref<128x32xf32, #tpu.memory_space<vmem>>, vector<16xf32>,
            %add3A_173 = arith.constant 2 : i32
            %add3A_174 = arith.addi %multiple_of3A_117, %add3A_173 : i32
            %swap3A_175 = arith.index_cast %add3A_174 : i32 to index
            %swap3A_176 = arith.constant 16 : index
            %swap3A_177 = tpu.vector_load %arg11[%swap3A_175, %swap3A_176] {strides = array<i32>} : memref<128x48xf32, #tpu.memory_space<vmem>>, vector<16xf32>,
            tpu.vector_store %arg11[%swap3A_175, %swap3A_176], %get3A_172 {strides = array<i32>} : memref<128x48xf32, #tpu.memory_space<vmem>>, vector<16xf32>,
            %add3A_178 = arith.constant 3 : i32
            %add3A_179 = arith.addi %multiple_of3A_117, %add3A_178 : i32
            %get3A_180 = arith.index_cast %add3A_179 : i32 to index
            %get3A_181 = arith.constant 0 : index
            %get3A_182 = tpu.vector_load %arg10[%get3A_180, %get3A_181] {strides = array<i32>} : memref<128x32xf32, #tpu.memory_space<vmem>>, vector<16xf32>,
            %add3A_183 = arith.constant 3 : i32
            %add3A_184 = arith.addi %multiple_of3A_117, %add3A_183 : i32
            %swap3A_185 = arith.index_cast %add3A_184 : i32 to index
            %swap3A_186 = arith.constant 0 : index
            %swap3A_187 = tpu.vector_load %arg11[%swap3A_185, %swap3A_186] {strides = array<i32>} : memref<128x48xf32, #tpu.memory_space<vmem>>, vector<16xf32>,
            tpu.vector_store %arg11[%swap3A_185, %swap3A_186], %get3A_182 {strides = array<i32>} : memref<128x48xf32, #tpu.memory_space<vmem>>, vector<16xf32>,
            %add3A_188 = arith.constant 3 : i32
            %add3A_189 = arith.addi %multiple_of3A_117, %add3A_188 : i32
            %get3A_190 = arith.index_cast %add3A_189 : i32 to index
            %get3A_191 = arith.constant 16 : index
            %get3A_192 = tpu.vector_load %arg10[%get3A_190, %get3A_191] {strides = array<i32>} : memref<128x32xf32, #tpu.memory_space<vmem>>, vector<16xf32>,
            %add3A_193 = arith.constant 3 : i32
            %add3A_194 = arith.addi %multiple_of3A_117, %add3A_193 : i32
            %swap3A_195 = arith.index_cast %add3A_194 : i32 to index
            %swap3A_196 = arith.constant 16 : index
            %swap3A_197 = tpu.vector_load %arg11[%swap3A_195, %swap3A_196] {strides = array<i32>} : memref<128x48xf32, #tpu.memory_space<vmem>>, vector<16xf32>,
            tpu.vector_store %arg11[%swap3A_195, %swap3A_196], %get3A_192 {strides = array<i32>} : memref<128x48xf32, #tpu.memory_space<vmem>>, vector<16xf32>,
            %scan3A_198 = arith.constant 0 : i32
            scf.yield %scan3A_198 : i32
          }
          %scan3A_112 = arith.constant 32 : i32
          "tpu.region"() ({
            %run_scoped3A_113 = tpu.sem_alloc : memref<!tpu.dma_semaphore, #tpu.memory_space<semaphore_mem>>
            %dma_start3A = arith.constant 0 : i32
            %dma_start3A_114 = tpu.memref_slice %arg8[%while3A_82, %dma_start3A] : memref<104x128xi32, #tpu.memory_space<vmem>> -> memref<1x128xi32, #tpu.memory_space<vmem>>
            %dma_start3A_115 = tpu.memref_squeeze %dma_start3A_114 : memref<1x128xi32, #tpu.memory_space<vmem>> -> memref<128xi32, #tpu.memory_space<vmem>>
            %dma_start3A_116 = arith.constant 0 : i32
            %dma_start3A_117 = arith.constant 0 : i32
            %dma_start3A_118 = tpu.memref_slice %arg14[%dma_start3A_116, %dma_start3A_117] : memref<3088x48xf32, #tpu.memory_space<vmem_shared>> -> memref<3088x48xf32, #tpu.memory_space<vmem_shared>>
            tpu.enqueue_indirect_dma source(%arg11 : memref<128x48xf32, #tpu.memory_space<vmem>>) target(%dma_start3A_118 : memref<3088x48xf32, #tpu.memory_space<vmem_shared>>) offsets(%dma_start3A_115 : memref<128xi32, #tpu.memory_space<vmem>>) semaphore(%run_scoped3A_113 : memref<!tpu.dma_semaphore, #tpu.memory_space<semaphore_mem>>) {add = true}
            %dma_wait3A_119 = arith.constant 0 : i32
            %dma_wait3A_120 = tpu.memref_slice %arg8[%while3A_82, %dma_wait3A_119] : memref<104x128xi32, #tpu.memory_space<vmem>> -> memref<1x128xi32, #tpu.memory_space<vmem>>
            %dma_wait3A_121 = tpu.memref_squeeze %dma_wait3A_120 : memref<1x128xi32, #tpu.memory_space<vmem>> -> memref<128xi32, #tpu.memory_space<vmem>>
            %dma_wait3A_122 = arith.constant 0 : i32
            %dma_wait3A_123 = arith.constant 0 : i32
            %dma_wait3A_124 = tpu.memref_slice %arg14[%dma_wait3A_122, %dma_wait3A_123] : memref<3088x48xf32, #tpu.memory_space<vmem_shared>> -> memref<3088x48xf32, #tpu.memory_space<vmem_shared>>
            tpu.wait_indirect_dma semaphore(%run_scoped3A_113 : memref<!tpu.dma_semaphore, #tpu.memory_space<semaphore_mem>>) src(%arg11 : memref<128x48xf32, #tpu.memory_space<vmem>>) dst(%dma_wait3A_124 : memref<3088x48xf32, #tpu.memory_space<vmem_shared>>)
            tpu.yield
          }) : () -> ()
        } else {
        }
        %while3A_94 = arith.constant 0 : i32
        scf.yield %while3A_94 : i32
      }
      %while3A_79 = arith.constant 1 : i32
      %while3A_80 = scf.for %while3A_82 = %while3A_76 to %while3A_72 step %while3A_79 iter_args(%while3A_83 = %while3A_78) -> (i32)  : i32 {
        %and3A_84 = arith.constant 1 : i32
        %and3A_85 = arith.andi %while3A_82, %and3A_84 : i32
        %eq3A = arith.constant 0 : i32
        %eq3A_86 = arith.cmpi eq, %and3A_85, %eq3A : i32
        %convert_element_type3A_87 = arith.extui %eq3A_86 : i1 to i32
        %cond3A_88 = arith.constant 0 : i32
        %cond3A_89 = arith.cmpi ne, %convert_element_type3A_87, %cond3A_88 : i32
        scf.if %cond3A_89 {
          %dma_wait3A = arith.constant 0 : i32
          %dma_wait3A_95 = arith.constant 0 : i32
          %dma_wait3A_96 = tpu.memref_slice %arg7[%dma_wait3A, %dma_wait3A_95] : memref<104x128xi32, #tpu.memory_space<vmem>> -> memref<1x128xi32, #tpu.memory_space<vmem>>
          %dma_wait3A_97 = tpu.memref_squeeze %dma_wait3A_96 : memref<1x128xi32, #tpu.memory_space<vmem>> -> memref<128xi32, #tpu.memory_space<vmem>>
          %dma_wait3A_98 = arith.constant 0 : i32
          %dma_wait3A_99 = arith.constant 0 : i32
          %dma_wait3A_100 = tpu.memref_slice %arg3[%dma_wait3A_98, %dma_wait3A_99] : memref<219008x32xf32, #tpu.memory_space<hbm>> -> memref<219008x32xf32, #tpu.memory_space<hbm>>
          tpu.wait_indirect_dma semaphore(%arg15 : memref<!tpu.dma_semaphore, #tpu.memory_space<semaphore_mem>>) src(%dma_wait3A_100 : memref<219008x32xf32, #tpu.memory_space<hbm>>) dst(%arg9 : memref<128x32xf32, #tpu.memory_space<vmem>>)
          %add3A_101 = arith.constant 1 : i32
          %add3A_102 = arith.addi %while3A_82, %add3A_101 : i32
          %lt3A = arith.cmpi slt, %add3A_102, %shift_right_logical3A_67 : i32
          %convert_element_type3A_103 = arith.extui %lt3A : i1 to i32
          %cond3A_104 = arith.constant 0 : i32
          %cond3A_105 = arith.cmpi ne, %convert_element_type3A_103, %cond3A_104 : i32
          scf.if %cond3A_105 {
            %add3A_113 = arith.constant 1 : i32
            %add3A_114 = arith.addi %while3A_82, %add3A_113 : i32
            %dma_start3A = arith.constant 0 : i32
            %dma_start3A_115 = tpu.memref_slice %arg7[%add3A_114, %dma_start3A] : memref<104x128xi32, #tpu.memory_space<vmem>> -> memref<1x128xi32, #tpu.memory_space<vmem>>
            %dma_start3A_116 = tpu.memref_squeeze %dma_start3A_115 : memref<1x128xi32, #tpu.memory_space<vmem>> -> memref<128xi32, #tpu.memory_space<vmem>>
            %dma_start3A_117 = arith.constant 0 : i32
            %dma_start3A_118 = arith.constant 0 : i32
            %dma_start3A_119 = tpu.memref_slice %arg3[%dma_start3A_117, %dma_start3A_118] : memref<219008x32xf32, #tpu.memory_space<hbm>> -> memref<219008x32xf32, #tpu.memory_space<hbm>>
            tpu.enqueue_indirect_dma source(%dma_start3A_119 : memref<219008x32xf32, #tpu.memory_space<hbm>>) target(%arg10 : memref<128x32xf32, #tpu.memory_space<vmem>>) offsets(%dma_start3A_116 : memref<128xi32, #tpu.memory_space<vmem>>) semaphore(%arg16 : memref<!tpu.dma_semaphore, #tpu.memory_space<semaphore_mem>>)
          } else {
          }
          %scan3A_106 = arith.constant 0 : i32
          %scan3A_107 = arith.constant 0 : i32
          %scan3A_108 = arith.constant 32 : i32
          %scan3A_109 = arith.addi %scan3A_107, %scan3A_108 : i32
          %scan3A_110 = arith.constant 1 : i32
          %scan3A_111 = scf.for %scan3A_113 = %scan3A_107 to %scan3A_109 step %scan3A_110 iter_args(%scan3A_114 = %scan3A_106) -> (i32)  : i32 {
            %mul3A_115 = arith.constant 4 : i32
            %mul3A_116 = arith.muli %scan3A_113, %mul3A_115 : i32
            %multiple_of3A_117 = tpu.assume_multiple %mul3A_116, 4 : i32
            %add3A_118 = arith.constant 0 : i32
            %add3A_119 = arith.addi %multiple_of3A_117, %add3A_118 : i32
            %get3A_120 = arith.index_cast %add3A_119 : i32 to index
            %get3A_121 = arith.constant 0 : index
            %get3A_122 = tpu.vector_load %arg9[%get3A_120, %get3A_121] {strides = array<i32>} : memref<128x32xf32, #tpu.memory_space<vmem>>, vector<16xf32>,
            %add3A_123 = arith.constant 0 : i32
            %add3A_124 = arith.addi %multiple_of3A_117, %add3A_123 : i32
            %swap3A_125 = arith.index_cast %add3A_124 : i32 to index
            %swap3A_126 = arith.constant 0 : index
            %swap3A_127 = tpu.vector_load %arg11[%swap3A_125, %swap3A_126] {strides = array<i32>} : memref<128x48xf32, #tpu.memory_space<vmem>>, vector<16xf32>,
            tpu.vector_store %arg11[%swap3A_125, %swap3A_126], %get3A_122 {strides = array<i32>} : memref<128x48xf32, #tpu.memory_space<vmem>>, vector<16xf32>,
            %add3A_128 = arith.constant 0 : i32
            %add3A_129 = arith.addi %multiple_of3A_117, %add3A_128 : i32
            %get3A_130 = arith.index_cast %add3A_129 : i32 to index
            %get3A_131 = arith.constant 16 : index
            %get3A_132 = tpu.vector_load %arg9[%get3A_130, %get3A_131] {strides = array<i32>} : memref<128x32xf32, #tpu.memory_space<vmem>>, vector<16xf32>,
            %add3A_133 = arith.constant 0 : i32
            %add3A_134 = arith.addi %multiple_of3A_117, %add3A_133 : i32
            %swap3A_135 = arith.index_cast %add3A_134 : i32 to index
            %swap3A_136 = arith.constant 16 : index
            %swap3A_137 = tpu.vector_load %arg11[%swap3A_135, %swap3A_136] {strides = array<i32>} : memref<128x48xf32, #tpu.memory_space<vmem>>, vector<16xf32>,
            tpu.vector_store %arg11[%swap3A_135, %swap3A_136], %get3A_132 {strides = array<i32>} : memref<128x48xf32, #tpu.memory_space<vmem>>, vector<16xf32>,
            %add3A_138 = arith.constant 1 : i32
            %add3A_139 = arith.addi %multiple_of3A_117, %add3A_138 : i32
            %get3A_140 = arith.index_cast %add3A_139 : i32 to index
            %get3A_141 = arith.constant 0 : index
            %get3A_142 = tpu.vector_load %arg9[%get3A_140, %get3A_141] {strides = array<i32>} : memref<128x32xf32, #tpu.memory_space<vmem>>, vector<16xf32>,
            %add3A_143 = arith.constant 1 : i32
            %add3A_144 = arith.addi %multiple_of3A_117, %add3A_143 : i32
            %swap3A_145 = arith.index_cast %add3A_144 : i32 to index
            %swap3A_146 = arith.constant 0 : index
            %swap3A_147 = tpu.vector_load %arg11[%swap3A_145, %swap3A_146] {strides = array<i32>} : memref<128x48xf32, #tpu.memory_space<vmem>>, vector<16xf32>,
            tpu.vector_store %arg11[%swap3A_145, %swap3A_146], %get3A_142 {strides = array<i32>} : memref<128x48xf32, #tpu.memory_space<vmem>>, vector<16xf32>,
            %add3A_148 = arith.constant 1 : i32
            %add3A_149 = arith.addi %multiple_of3A_117, %add3A_148 : i32
            %get3A_150 = arith.index_cast %add3A_149 : i32 to index
            %get3A_151 = arith.constant 16 : index
            %get3A_152 = tpu.vector_load %arg9[%get3A_150, %get3A_151] {strides = array<i32>} : memref<128x32xf32, #tpu.memory_space<vmem>>, vector<16xf32>,
            %add3A_153 = arith.constant 1 : i32
            %add3A_154 = arith.addi %multiple_of3A_117, %add3A_153 : i32
            %swap3A_155 = arith.index_cast %add3A_154 : i32 to index
            %swap3A_156 = arith.constant 16 : index
            %swap3A_157 = tpu.vector_load %arg11[%swap3A_155, %swap3A_156] {strides = array<i32>} : memref<128x48xf32, #tpu.memory_space<vmem>>, vector<16xf32>,
            tpu.vector_store %arg11[%swap3A_155, %swap3A_156], %get3A_152 {strides = array<i32>} : memref<128x48xf32, #tpu.memory_space<vmem>>, vector<16xf32>,
            %add3A_158 = arith.constant 2 : i32
            %add3A_159 = arith.addi %multiple_of3A_117, %add3A_158 : i32
            %get3A_160 = arith.index_cast %add3A_159 : i32 to index
            %get3A_161 = arith.constant 0 : index
            %get3A_162 = tpu.vector_load %arg9[%get3A_160, %get3A_161] {strides = array<i32>} : memref<128x32xf32, #tpu.memory_space<vmem>>, vector<16xf32>,
            %add3A_163 = arith.constant 2 : i32
            %add3A_164 = arith.addi %multiple_of3A_117, %add3A_163 : i32
            %swap3A_165 = arith.index_cast %add3A_164 : i32 to index
            %swap3A_166 = arith.constant 0 : index
            %swap3A_167 = tpu.vector_load %arg11[%swap3A_165, %swap3A_166] {strides = array<i32>} : memref<128x48xf32, #tpu.memory_space<vmem>>, vector<16xf32>,
            tpu.vector_store %arg11[%swap3A_165, %swap3A_166], %get3A_162 {strides = array<i32>} : memref<128x48xf32, #tpu.memory_space<vmem>>, vector<16xf32>,
            %add3A_168 = arith.constant 2 : i32
            %add3A_169 = arith.addi %multiple_of3A_117, %add3A_168 : i32
            %get3A_170 = arith.index_cast %add3A_169 : i32 to index
            %get3A_171 = arith.constant 16 : index
            %get3A_172 = tpu.vector_load %arg9[%get3A_170, %get3A_171] {strides = array<i32>} : memref<128x32xf32, #tpu.memory_space<vmem>>, vector<16xf32>,
            %add3A_173 = arith.constant 2 : i32
            %add3A_174 = arith.addi %multiple_of3A_117, %add3A_173 : i32
            %swap3A_175 = arith.index_cast %add3A_174 : i32 to index
            %swap3A_176 = arith.constant 16 : index
            %swap3A_177 = tpu.vector_load %arg11[%swap3A_175, %swap3A_176] {strides = array<i32>} : memref<128x48xf32, #tpu.memory_space<vmem>>, vector<16xf32>,
            tpu.vector_store %arg11[%swap3A_175, %swap3A_176], %get3A_172 {strides = array<i32>} : memref<128x48xf32, #tpu.memory_space<vmem>>, vector<16xf32>,
            %add3A_178 = arith.constant 3 : i32
            %add3A_179 = arith.addi %multiple_of3A_117, %add3A_178 : i32
            %get3A_180 = arith.index_cast %add3A_179 : i32 to index
            %get3A_181 = arith.constant 0 : index
            %get3A_182 = tpu.vector_load %arg9[%get3A_180, %get3A_181] {strides = array<i32>} : memref<128x32xf32, #tpu.memory_space<vmem>>, vector<16xf32>,
            %add3A_183 = arith.constant 3 : i32
            %add3A_184 = arith.addi %multiple_of3A_117, %add3A_183 : i32
            %swap3A_185 = arith.index_cast %add3A_184 : i32 to index
            %swap3A_186 = arith.constant 0 : index
            %swap3A_187 = tpu.vector_load %arg11[%swap3A_185, %swap3A_186] {strides = array<i32>} : memref<128x48xf32, #tpu.memory_space<vmem>>, vector<16xf32>,
            tpu.vector_store %arg11[%swap3A_185, %swap3A_186], %get3A_182 {strides = array<i32>} : memref<128x48xf32, #tpu.memory_space<vmem>>, vector<16xf32>,
            %add3A_188 = arith.constant 3 : i32
            %add3A_189 = arith.addi %multiple_of3A_117, %add3A_188 : i32
            %get3A_190 = arith.index_cast %add3A_189 : i32 to index
            %get3A_191 = arith.constant 16 : index
            %get3A_192 = tpu.vector_load %arg9[%get3A_190, %get3A_191] {strides = array<i32>} : memref<128x32xf32, #tpu.memory_space<vmem>>, vector<16xf32>,
            %add3A_193 = arith.constant 3 : i32
            %add3A_194 = arith.addi %multiple_of3A_117, %add3A_193 : i32
            %swap3A_195 = arith.index_cast %add3A_194 : i32 to index
            %swap3A_196 = arith.constant 16 : index
            %swap3A_197 = tpu.vector_load %arg11[%swap3A_195, %swap3A_196] {strides = array<i32>} : memref<128x48xf32, #tpu.memory_space<vmem>>, vector<16xf32>,
            tpu.vector_store %arg11[%swap3A_195, %swap3A_196], %get3A_192 {strides = array<i32>} : memref<128x48xf32, #tpu.memory_space<vmem>>, vector<16xf32>,
            %scan3A_198 = arith.constant 0 : i32
            scf.yield %scan3A_198 : i32
          }
          %scan3A_112 = arith.constant 32 : i32
          "tpu.region"() ({
            %run_scoped3A_113 = tpu.sem_alloc : memref<!tpu.dma_semaphore, #tpu.memory_space<semaphore_mem>>
            %dma_start3A = arith.constant 0 : i32
            %dma_start3A_114 = tpu.memref_slice %arg8[%while3A_82, %dma_start3A] : memref<104x128xi32, #tpu.memory_space<vmem>> -> memref<1x128xi32, #tpu.memory_space<vmem>>
            %dma_start3A_115 = tpu.memref_squeeze %dma_start3A_114 : memref<1x128xi32, #tpu.memory_space<vmem>> -> memref<128xi32, #tpu.memory_space<vmem>>
            %dma_start3A_116 = arith.constant 0 : i32
            %dma_start3A_117 = arith.constant 0 : i32
            %dma_start3A_118 = tpu.memref_slice %arg14[%dma_start3A_116, %dma_start3A_117] : memref<3088x48xf32, #tpu.memory_space<vmem_shared>> -> memref<3088x48xf32, #tpu.memory_space<vmem_shared>>
            tpu.enqueue_indirect_dma source(%arg11 : memref<128x48xf32, #tpu.memory_space<vmem>>) target(%dma_start3A_118 : memref<3088x48xf32, #tpu.memory_space<vmem_shared>>) offsets(%dma_start3A_115 : memref<128xi32, #tpu.memory_space<vmem>>) semaphore(%run_scoped3A_113 : memref<!tpu.dma_semaphore, #tpu.memory_space<semaphore_mem>>) {add = true}
            %dma_wait3A_119 = arith.constant 0 : i32
            %dma_wait3A_120 = tpu.memref_slice %arg8[%while3A_82, %dma_wait3A_119] : memref<104x128xi32, #tpu.memory_space<vmem>> -> memref<1x128xi32, #tpu.memory_space<vmem>>
            %dma_wait3A_121 = tpu.memref_squeeze %dma_wait3A_120 : memref<1x128xi32, #tpu.memory_space<vmem>> -> memref<128xi32, #tpu.memory_space<vmem>>
            %dma_wait3A_122 = arith.constant 0 : i32
            %dma_wait3A_123 = arith.constant 0 : i32
            %dma_wait3A_124 = tpu.memref_slice %arg14[%dma_wait3A_122, %dma_wait3A_123] : memref<3088x48xf32, #tpu.memory_space<vmem_shared>> -> memref<3088x48xf32, #tpu.memory_space<vmem_shared>>
            tpu.wait_indirect_dma semaphore(%run_scoped3A_113 : memref<!tpu.dma_semaphore, #tpu.memory_space<semaphore_mem>>) src(%arg11 : memref<128x48xf32, #tpu.memory_space<vmem>>) dst(%dma_wait3A_124 : memref<3088x48xf32, #tpu.memory_space<vmem_shared>>)
            tpu.yield
          }) : () -> ()
        } else {
        }
        %not3A = arith.constant true
        %not3A_90 = arith.xori %eq3A_86, %not3A : i1
        %convert_element_type3A_91 = arith.extui %not3A_90 : i1 to i32
        %cond3A_92 = arith.constant 0 : i32
        %cond3A_93 = arith.cmpi ne, %convert_element_type3A_91, %cond3A_92 : i32
        scf.if %cond3A_93 {
          %dma_wait3A = arith.constant 0 : i32
          %dma_wait3A_95 = arith.constant 0 : i32
          %dma_wait3A_96 = tpu.memref_slice %arg7[%dma_wait3A, %dma_wait3A_95] : memref<104x128xi32, #tpu.memory_space<vmem>> -> memref<1x128xi32, #tpu.memory_space<vmem>>
          %dma_wait3A_97 = tpu.memref_squeeze %dma_wait3A_96 : memref<1x128xi32, #tpu.memory_space<vmem>> -> memref<128xi32, #tpu.memory_space<vmem>>
          %dma_wait3A_98 = arith.constant 0 : i32
          %dma_wait3A_99 = arith.constant 0 : i32
          %dma_wait3A_100 = tpu.memref_slice %arg3[%dma_wait3A_98, %dma_wait3A_99] : memref<219008x32xf32, #tpu.memory_space<hbm>> -> memref<219008x32xf32, #tpu.memory_space<hbm>>
          tpu.wait_indirect_dma semaphore(%arg16 : memref<!tpu.dma_semaphore, #tpu.memory_space<semaphore_mem>>) src(%dma_wait3A_100 : memref<219008x32xf32, #tpu.memory_space<hbm>>) dst(%arg10 : memref<128x32xf32, #tpu.memory_space<vmem>>)
          %add3A_101 = arith.constant 1 : i32
          %add3A_102 = arith.addi %while3A_82, %add3A_101 : i32
          %lt3A = arith.cmpi slt, %add3A_102, %shift_right_logical3A_67 : i32
          %convert_element_type3A_103 = arith.extui %lt3A : i1 to i32
          %cond3A_104 = arith.constant 0 : i32
          %cond3A_105 = arith.cmpi ne, %convert_element_type3A_103, %cond3A_104 : i32
          scf.if %cond3A_105 {
            %add3A_113 = arith.constant 1 : i32
            %add3A_114 = arith.addi %while3A_82, %add3A_113 : i32
            %dma_start3A = arith.constant 0 : i32
            %dma_start3A_115 = tpu.memref_slice %arg7[%add3A_114, %dma_start3A] : memref<104x128xi32, #tpu.memory_space<vmem>> -> memref<1x128xi32, #tpu.memory_space<vmem>>
            %dma_start3A_116 = tpu.memref_squeeze %dma_start3A_115 : memref<1x128xi32, #tpu.memory_space<vmem>> -> memref<128xi32, #tpu.memory_space<vmem>>
            %dma_start3A_117 = arith.constant 0 : i32
            %dma_start3A_118 = arith.constant 0 : i32
            %dma_start3A_119 = tpu.memref_slice %arg3[%dma_start3A_117, %dma_start3A_118] : memref<219008x32xf32, #tpu.memory_space<hbm>> -> memref<219008x32xf32, #tpu.memory_space<hbm>>
            tpu.enqueue_indirect_dma source(%dma_start3A_119 : memref<219008x32xf32, #tpu.memory_space<hbm>>) target(%arg9 : memref<128x32xf32, #tpu.memory_space<vmem>>) offsets(%dma_start3A_116 : memref<128xi32, #tpu.memory_space<vmem>>) semaphore(%arg15 : memref<!tpu.dma_semaphore, #tpu.memory_space<semaphore_mem>>)
          } else {
          }
          %scan3A_106 = arith.constant 0 : i32
          %scan3A_107 = arith.constant 0 : i32
          %scan3A_108 = arith.constant 32 : i32
          %scan3A_109 = arith.addi %scan3A_107, %scan3A_108 : i32
          %scan3A_110 = arith.constant 1 : i32
          %scan3A_111 = scf.for %scan3A_113 = %scan3A_107 to %scan3A_109 step %scan3A_110 iter_args(%scan3A_114 = %scan3A_106) -> (i32)  : i32 {
            %mul3A_115 = arith.constant 4 : i32
            %mul3A_116 = arith.muli %scan3A_113, %mul3A_115 : i32
            %multiple_of3A_117 = tpu.assume_multiple %mul3A_116, 4 : i32
            %add3A_118 = arith.constant 0 : i32
            %add3A_119 = arith.addi %multiple_of3A_117, %add3A_118 : i32
            %get3A_120 = arith.index_cast %add3A_119 : i32 to index
            %get3A_121 = arith.constant 0 : index
            %get3A_122 = tpu.vector_load %arg10[%get3A_120, %get3A_121] {strides = array<i32>} : memref<128x32xf32, #tpu.memory_space<vmem>>, vector<16xf32>,
            %add3A_123 = arith.constant 0 : i32
            %add3A_124 = arith.addi %multiple_of3A_117, %add3A_123 : i32
            %swap3A_125 = arith.index_cast %add3A_124 : i32 to index
            %swap3A_126 = arith.constant 0 : index
            %swap3A_127 = tpu.vector_load %arg11[%swap3A_125, %swap3A_126] {strides = array<i32>} : memref<128x48xf32, #tpu.memory_space<vmem>>, vector<16xf32>,
            tpu.vector_store %arg11[%swap3A_125, %swap3A_126], %get3A_122 {strides = array<i32>} : memref<128x48xf32, #tpu.memory_space<vmem>>, vector<16xf32>,
            %add3A_128 = arith.constant 0 : i32
            %add3A_129 = arith.addi %multiple_of3A_117, %add3A_128 : i32
            %get3A_130 = arith.index_cast %add3A_129 : i32 to index
            %get3A_131 = arith.constant 16 : index
            %get3A_132 = tpu.vector_load %arg10[%get3A_130, %get3A_131] {strides = array<i32>} : memref<128x32xf32, #tpu.memory_space<vmem>>, vector<16xf32>,
            %add3A_133 = arith.constant 0 : i32
            %add3A_134 = arith.addi %multiple_of3A_117, %add3A_133 : i32
            %swap3A_135 = arith.index_cast %add3A_134 : i32 to index
            %swap3A_136 = arith.constant 16 : index
            %swap3A_137 = tpu.vector_load %arg11[%swap3A_135, %swap3A_136] {strides = array<i32>} : memref<128x48xf32, #tpu.memory_space<vmem>>, vector<16xf32>,
            tpu.vector_store %arg11[%swap3A_135, %swap3A_136], %get3A_132 {strides = array<i32>} : memref<128x48xf32, #tpu.memory_space<vmem>>, vector<16xf32>,
            %add3A_138 = arith.constant 1 : i32
            %add3A_139 = arith.addi %multiple_of3A_117, %add3A_138 : i32
            %get3A_140 = arith.index_cast %add3A_139 : i32 to index
            %get3A_141 = arith.constant 0 : index
            %get3A_142 = tpu.vector_load %arg10[%get3A_140, %get3A_141] {strides = array<i32>} : memref<128x32xf32, #tpu.memory_space<vmem>>, vector<16xf32>,
            %add3A_143 = arith.constant 1 : i32
            %add3A_144 = arith.addi %multiple_of3A_117, %add3A_143 : i32
            %swap3A_145 = arith.index_cast %add3A_144 : i32 to index
            %swap3A_146 = arith.constant 0 : index
            %swap3A_147 = tpu.vector_load %arg11[%swap3A_145, %swap3A_146] {strides = array<i32>} : memref<128x48xf32, #tpu.memory_space<vmem>>, vector<16xf32>,
            tpu.vector_store %arg11[%swap3A_145, %swap3A_146], %get3A_142 {strides = array<i32>} : memref<128x48xf32, #tpu.memory_space<vmem>>, vector<16xf32>,
            %add3A_148 = arith.constant 1 : i32
            %add3A_149 = arith.addi %multiple_of3A_117, %add3A_148 : i32
            %get3A_150 = arith.index_cast %add3A_149 : i32 to index
            %get3A_151 = arith.constant 16 : index
            %get3A_152 = tpu.vector_load %arg10[%get3A_150, %get3A_151] {strides = array<i32>} : memref<128x32xf32, #tpu.memory_space<vmem>>, vector<16xf32>,
            %add3A_153 = arith.constant 1 : i32
            %add3A_154 = arith.addi %multiple_of3A_117, %add3A_153 : i32
            %swap3A_155 = arith.index_cast %add3A_154 : i32 to index
            %swap3A_156 = arith.constant 16 : index
            %swap3A_157 = tpu.vector_load %arg11[%swap3A_155, %swap3A_156] {strides = array<i32>} : memref<128x48xf32, #tpu.memory_space<vmem>>, vector<16xf32>,
            tpu.vector_store %arg11[%swap3A_155, %swap3A_156], %get3A_152 {strides = array<i32>} : memref<128x48xf32, #tpu.memory_space<vmem>>, vector<16xf32>,
            %add3A_158 = arith.constant 2 : i32
            %add3A_159 = arith.addi %multiple_of3A_117, %add3A_158 : i32
            %get3A_160 = arith.index_cast %add3A_159 : i32 to index
            %get3A_161 = arith.constant 0 : index
            %get3A_162 = tpu.vector_load %arg10[%get3A_160, %get3A_161] {strides = array<i32>} : memref<128x32xf32, #tpu.memory_space<vmem>>, vector<16xf32>,
            %add3A_163 = arith.constant 2 : i32
            %add3A_164 = arith.addi %multiple_of3A_117, %add3A_163 : i32
            %swap3A_165 = arith.index_cast %add3A_164 : i32 to index
            %swap3A_166 = arith.constant 0 : index
            %swap3A_167 = tpu.vector_load %arg11[%swap3A_165, %swap3A_166] {strides = array<i32>} : memref<128x48xf32, #tpu.memory_space<vmem>>, vector<16xf32>,
            tpu.vector_store %arg11[%swap3A_165, %swap3A_166], %get3A_162 {strides = array<i32>} : memref<128x48xf32, #tpu.memory_space<vmem>>, vector<16xf32>,
            %add3A_168 = arith.constant 2 : i32
            %add3A_169 = arith.addi %multiple_of3A_117, %add3A_168 : i32
            %get3A_170 = arith.index_cast %add3A_169 : i32 to index
            %get3A_171 = arith.constant 16 : index
            %get3A_172 = tpu.vector_load %arg10[%get3A_170, %get3A_171] {strides = array<i32>} : memref<128x32xf32, #tpu.memory_space<vmem>>, vector<16xf32>,
            %add3A_173 = arith.constant 2 : i32
            %add3A_174 = arith.addi %multiple_of3A_117, %add3A_173 : i32
            %swap3A_175 = arith.index_cast %add3A_174 : i32 to index
            %swap3A_176 = arith.constant 16 : index
            %swap3A_177 = tpu.vector_load %arg11[%swap3A_175, %swap3A_176] {strides = array<i32>} : memref<128x48xf32, #tpu.memory_space<vmem>>, vector<16xf32>,
            tpu.vector_store %arg11[%swap3A_175, %swap3A_176], %get3A_172 {strides = array<i32>} : memref<128x48xf32, #tpu.memory_space<vmem>>, vector<16xf32>,
            %add3A_178 = arith.constant 3 : i32
            %add3A_179 = arith.addi %multiple_of3A_117, %add3A_178 : i32
            %get3A_180 = arith.index_cast %add3A_179 : i32 to index
            %get3A_181 = arith.constant 0 : index
            %get3A_182 = tpu.vector_load %arg10[%get3A_180, %get3A_181] {strides = array<i32>} : memref<128x32xf32, #tpu.memory_space<vmem>>, vector<16xf32>,
            %add3A_183 = arith.constant 3 : i32
            %add3A_184 = arith.addi %multiple_of3A_117, %add3A_183 : i32
            %swap3A_185 = arith.index_cast %add3A_184 : i32 to index
            %swap3A_186 = arith.constant 0 : index
            %swap3A_187 = tpu.vector_load %arg11[%swap3A_185, %swap3A_186] {strides = array<i32>} : memref<128x48xf32, #tpu.memory_space<vmem>>, vector<16xf32>,
            tpu.vector_store %arg11[%swap3A_185, %swap3A_186], %get3A_182 {strides = array<i32>} : memref<128x48xf32, #tpu.memory_space<vmem>>, vector<16xf32>,
            %add3A_188 = arith.constant 3 : i32
            %add3A_189 = arith.addi %multiple_of3A_117, %add3A_188 : i32
            %get3A_190 = arith.index_cast %add3A_189 : i32 to index
            %get3A_191 = arith.constant 16 : index
            %get3A_192 = tpu.vector_load %arg10[%get3A_190, %get3A_191] {strides = array<i32>} : memref<128x32xf32, #tpu.memory_space<vmem>>, vector<16xf32>,
            %add3A_193 = arith.constant 3 : i32
            %add3A_194 = arith.addi %multiple_of3A_117, %add3A_193 : i32
            %swap3A_195 = arith.index_cast %add3A_194 : i32 to index
            %swap3A_196 = arith.constant 16 : index
            %swap3A_197 = tpu.vector_load %arg11[%swap3A_195, %swap3A_196] {strides = array<i32>} : memref<128x48xf32, #tpu.memory_space<vmem>>, vector<16xf32>,
            tpu.vector_store %arg11[%swap3A_195, %swap3A_196], %get3A_192 {strides = array<i32>} : memref<128x48xf32, #tpu.memory_space<vmem>>, vector<16xf32>,
            %scan3A_198 = arith.constant 0 : i32
            scf.yield %scan3A_198 : i32
          }
          %scan3A_112 = arith.constant 32 : i32
          "tpu.region"() ({
            %run_scoped3A_113 = tpu.sem_alloc : memref<!tpu.dma_semaphore, #tpu.memory_space<semaphore_mem>>
            %dma_start3A = arith.constant 0 : i32
            %dma_start3A_114 = tpu.memref_slice %arg8[%while3A_82, %dma_start3A] : memref<104x128xi32, #tpu.memory_space<vmem>> -> memref<1x128xi32, #tpu.memory_space<vmem>>
            %dma_start3A_115 = tpu.memref_squeeze %dma_start3A_114 : memref<1x128xi32, #tpu.memory_space<vmem>> -> memref<128xi32, #tpu.memory_space<vmem>>
            %dma_start3A_116 = arith.constant 0 : i32
            %dma_start3A_117 = arith.constant 0 : i32
            %dma_start3A_118 = tpu.memref_slice %arg14[%dma_start3A_116, %dma_start3A_117] : memref<3088x48xf32, #tpu.memory_space<vmem_shared>> -> memref<3088x48xf32, #tpu.memory_space<vmem_shared>>
            tpu.enqueue_indirect_dma source(%arg11 : memref<128x48xf32, #tpu.memory_space<vmem>>) target(%dma_start3A_118 : memref<3088x48xf32, #tpu.memory_space<vmem_shared>>) offsets(%dma_start3A_115 : memref<128xi32, #tpu.memory_space<vmem>>) semaphore(%run_scoped3A_113 : memref<!tpu.dma_semaphore, #tpu.memory_space<semaphore_mem>>) {add = true}
            %dma_wait3A_119 = arith.constant 0 : i32
            %dma_wait3A_120 = tpu.memref_slice %arg8[%while3A_82, %dma_wait3A_119] : memref<104x128xi32, #tpu.memory_space<vmem>> -> memref<1x128xi32, #tpu.memory_space<vmem>>
            %dma_wait3A_121 = tpu.memref_squeeze %dma_wait3A_120 : memref<1x128xi32, #tpu.memory_space<vmem>> -> memref<128xi32, #tpu.memory_space<vmem>>
            %dma_wait3A_122 = arith.constant 0 : i32
            %dma_wait3A_123 = arith.constant 0 : i32
            %dma_wait3A_124 = tpu.memref_slice %arg14[%dma_wait3A_122, %dma_wait3A_123] : memref<3088x48xf32, #tpu.memory_space<vmem_shared>> -> memref<3088x48xf32, #tpu.memory_space<vmem_shared>>
            tpu.wait_indirect_dma semaphore(%run_scoped3A_113 : memref<!tpu.dma_semaphore, #tpu.memory_space<semaphore_mem>>) src(%arg11 : memref<128x48xf32, #tpu.memory_space<vmem>>) dst(%dma_wait3A_124 : memref<3088x48xf32, #tpu.memory_space<vmem_shared>>)
            tpu.yield
          }) : () -> ()
        } else {
        }
        %while3A_94 = arith.constant 0 : i32
        scf.yield %while3A_94 : i32
      }
      %scan3A_81 = arith.constant 0 : i32
      scf.yield %scan3A_81 : i32
    }
    %scan3A_25 = arith.constant 8 : i32
    %barrier3A_26 = arith.constant 0 : index
    tpu.barrier barrier_id(%barrier3A_26)
    %mul3A_27 = arith.constant 192 : i32
    %mul3A_28 = arith.muli %arg1, %mul3A_27 : i32
    %multiple_of3A_29 = tpu.assume_multiple %mul3A_28, 192 : i32
    %mul3A_30 = arith.constant 3072 : i32
    %mul3A_31 = arith.muli %arg0, %mul3A_30 : i32
    %mul3A_32 = arith.constant 192 : i32
    %mul3A_33 = arith.muli %arg1, %mul3A_32 : i32
    %add3A_34 = arith.addi %mul3A_31, %mul3A_33 : i32
    %multiple_of3A_35 = tpu.assume_multiple %add3A_34, 192 : i32
    "tpu.region"() ({
      %run_scoped3A = tpu.sem_alloc : memref<!tpu.dma_semaphore, #tpu.memory_space<semaphore_mem>>
      %dma_start3A = arith.constant 0 : i32
      %dma_start3A_36 = tpu.memref_slice %arg4[%multiple_of3A_35, %dma_start3A] : memref<6144x48xf32, #tpu.memory_space<hbm>> -> memref<192x48xf32, #tpu.memory_space<hbm>>
      %dma_start3A_37 = arith.constant 0 : i32
      %dma_start3A_38 = tpu.memref_slice %arg14[%multiple_of3A_29, %dma_start3A_37] : memref<3088x48xf32, #tpu.memory_space<vmem_shared>> -> memref<192x48xf32, #tpu.memory_space<vmem_shared>>
      tpu.enqueue_dma source(%dma_start3A_38 : memref<192x48xf32, #tpu.memory_space<vmem_shared>>) target(%dma_start3A_36 : memref<192x48xf32, #tpu.memory_space<hbm>>) target_semaphore(%run_scoped3A : memref<!tpu.dma_semaphore, #tpu.memory_space<semaphore_mem>>)
      %dma_wait3A = arith.constant 0 : i32
      %dma_wait3A_39 = tpu.memref_slice %arg4[%multiple_of3A_35, %dma_wait3A] : memref<6144x48xf32, #tpu.memory_space<hbm>> -> memref<192x48xf32, #tpu.memory_space<hbm>>
      %dma_wait3A_40 = arith.constant 0 : i32
      %dma_wait3A_41 = tpu.memref_slice %arg14[%multiple_of3A_29, %dma_wait3A_40] : memref<3088x48xf32, #tpu.memory_space<vmem_shared>> -> memref<192x48xf32, #tpu.memory_space<vmem_shared>>
      tpu.wait_dma2 semaphore(%run_scoped3A : memref<!tpu.dma_semaphore, #tpu.memory_space<semaphore_mem>>) src(%dma_wait3A_41 : memref<192x48xf32, #tpu.memory_space<vmem_shared>>) dst(%dma_wait3A_39 : memref<192x48xf32, #tpu.memory_space<hbm>>)
      tpu.yield
    }) : () -> ()
    return
  }
}

module attributes {stable_mosaic.version = 14 : i64} {
  func.func @_embed_body(%arg0: i32, %arg1: memref<7552x7xf32, #tpu.memory_space<vmem>>, %arg2: memref<7552x5xf32, #tpu.memory_space<vmem>>, %arg3: memref<7552x9xf32, #tpu.memory_space<vmem>>, %arg4: memref<7552x12xf32, #tpu.memory_space<vmem>>, %arg5: memref<4x12x32xf32, #tpu.memory_space<vmem>>, %arg6: memref<4x32xf32, #tpu.memory_space<vmem>>, %arg7: memref<7552x32xf32, #tpu.memory_space<vmem>>) attributes {dimension_semantics = [#tpu.dimension_semantics<arbitrary>], iteration_bounds = array<i64: 29>, scalar_prefetch = 0 : i64, scratch_operands = 0 : i64, tpu.core_type = #tpu.core_type<tc>, window_params = [{transform_indices = @transform_0, window_bounds = array<i64: 7552, 7>}, {transform_indices = @transform_1, window_bounds = array<i64: 7552, 5>}, {transform_indices = @transform_2, window_bounds = array<i64: 7552, 9>}, {pipeline_mode = #tpu.pipeline_mode<synchronous>, transform_indices = @transform_3, window_bounds = array<i64: 7552, 12>}, {pipeline_mode = #tpu.pipeline_mode<synchronous>, transform_indices = @transform_4, window_bounds = array<i64: 4, 12, 32>}, {pipeline_mode = #tpu.pipeline_mode<synchronous>, transform_indices = @transform_5, window_bounds = array<i64: 4, 32>}, {transform_indices = @transform_6, window_bounds = array<i64: 7552, 32>}]} {
    %ge3A = arith.constant 8 : i32
    %ge3A_0 = arith.cmpi sge, %arg0, %ge3A : i32
    %convert_element_type3A = arith.extui %ge3A_0 : i1 to i32
    %ge3A_1 = arith.constant 15 : i32
    %ge3A_2 = arith.cmpi sge, %arg0, %ge3A_1 : i32
    %convert_element_type3A_3 = arith.extui %ge3A_2 : i1 to i32
    %add3A = arith.addi %convert_element_type3A, %convert_element_type3A_3 : i32
    %ge3A_4 = arith.constant 28 : i32
    %ge3A_5 = arith.cmpi sge, %arg0, %ge3A_4 : i32
    %convert_element_type3A_6 = arith.extui %ge3A_5 : i1 to i32
    %add3A_7 = arith.addi %add3A, %convert_element_type3A_6 : i32
    %eq3A = arith.constant 0 : i32
    %eq3A_8 = arith.cmpi eq, %add3A_7, %eq3A : i32
    %convert_element_type3A_9 = arith.extui %eq3A_8 : i1 to i32
    %cond3A = arith.constant 0 : i32
    %cond3A_10 = arith.cmpi ne, %convert_element_type3A_9, %cond3A : i32
    scf.if %cond3A_10 {
      %get3A = arith.constant 0 : index
      %get3A_26 = arith.constant 0 : index
      %get3A_27 = vector.load %arg1[%get3A, %get3A_26] : memref<7552x7xf32, #tpu.memory_space<vmem>>, vector<7552x7xf32>
      %get3A_28 = arith.constant 0 : index
      %get3A_29 = arith.constant 0 : index
      %get3A_30 = arith.constant 0 : index
      %get3A_31 = vector.load %arg5[%get3A_28, %get3A_29, %get3A_30] : memref<4x12x32xf32, #tpu.memory_space<vmem>>, vector<1x7x32xf32>
      %get3A_32 = vector.shape_cast %get3A_31 : vector<1x7x32xf32> to vector<7x32xf32>
      %dot_general3A = arith.constant dense<0.000000e+00> : vector<7552x32xf32>
      %dot_general3A_33 = tpu.matmul %get3A_27, %get3A_32, %dot_general3A {dimension_numbers = #tpu.dot_dimension_numbers<[1], [0], [0], [1], [0, 0, 1, 1], [], []>, transpose_lhs_hint = false} : vector<7552x7xf32>, vector<7x32xf32>, vector<7552x32xf32> -> vector<7552x32xf32>
      %get3A_34 = arith.constant 0 : index
      %get3A_35 = arith.constant 0 : index
      %get3A_36 = vector.load %arg6[%get3A_34, %get3A_35] : memref<4x32xf32, #tpu.memory_space<vmem>>, vector<1x32xf32>
      %add3A_37 = vector.broadcast %get3A_36 : vector<1x32xf32> to vector<7552x32xf32>
      %add3A_38 = arith.addf %dot_general3A_33, %add3A_37 : vector<7552x32xf32>
      %swap3A = arith.constant 0 : index
      %swap3A_39 = arith.constant 0 : index
      %swap3A_40 = vector.load %arg7[%swap3A, %swap3A_39] : memref<7552x32xf32, #tpu.memory_space<vmem>>, vector<7552x32xf32>
      tpu.vector_store %arg7[%swap3A, %swap3A_39], %add3A_38 {strides = array<i32>} : memref<7552x32xf32, #tpu.memory_space<vmem>>, vector<7552x32xf32>,
    } else {
    }
    %eq3A_11 = arith.constant 1 : i32
    %eq3A_12 = arith.cmpi eq, %add3A_7, %eq3A_11 : i32
    %convert_element_type3A_13 = arith.extui %eq3A_12 : i1 to i32
    %cond3A_14 = arith.constant 0 : i32
    %cond3A_15 = arith.cmpi ne, %convert_element_type3A_13, %cond3A_14 : i32
    scf.if %cond3A_15 {
      %get3A = arith.constant 0 : index
      %get3A_26 = arith.constant 0 : index
      %get3A_27 = vector.load %arg2[%get3A, %get3A_26] : memref<7552x5xf32, #tpu.memory_space<vmem>>, vector<7552x5xf32>
      %get3A_28 = arith.constant 1 : index
      %get3A_29 = arith.constant 0 : index
      %get3A_30 = arith.constant 0 : index
      %get3A_31 = vector.load %arg5[%get3A_28, %get3A_29, %get3A_30] : memref<4x12x32xf32, #tpu.memory_space<vmem>>, vector<1x5x32xf32>
      %get3A_32 = vector.shape_cast %get3A_31 : vector<1x5x32xf32> to vector<5x32xf32>
      %dot_general3A = arith.constant dense<0.000000e+00> : vector<7552x32xf32>
      %dot_general3A_33 = tpu.matmul %get3A_27, %get3A_32, %dot_general3A {dimension_numbers = #tpu.dot_dimension_numbers<[1], [0], [0], [1], [0, 0, 1, 1], [], []>, transpose_lhs_hint = false} : vector<7552x5xf32>, vector<5x32xf32>, vector<7552x32xf32> -> vector<7552x32xf32>
      %get3A_34 = arith.constant 1 : index
      %get3A_35 = arith.constant 0 : index
      %get3A_36 = vector.load %arg6[%get3A_34, %get3A_35] : memref<4x32xf32, #tpu.memory_space<vmem>>, vector<1x32xf32>
      %add3A_37 = vector.broadcast %get3A_36 : vector<1x32xf32> to vector<7552x32xf32>
      %add3A_38 = arith.addf %dot_general3A_33, %add3A_37 : vector<7552x32xf32>
      %swap3A = arith.constant 0 : index
      %swap3A_39 = arith.constant 0 : index
      %swap3A_40 = vector.load %arg7[%swap3A, %swap3A_39] : memref<7552x32xf32, #tpu.memory_space<vmem>>, vector<7552x32xf32>
      tpu.vector_store %arg7[%swap3A, %swap3A_39], %add3A_38 {strides = array<i32>} : memref<7552x32xf32, #tpu.memory_space<vmem>>, vector<7552x32xf32>,
    } else {
    }
    %eq3A_16 = arith.constant 2 : i32
    %eq3A_17 = arith.cmpi eq, %add3A_7, %eq3A_16 : i32
    %convert_element_type3A_18 = arith.extui %eq3A_17 : i1 to i32
    %cond3A_19 = arith.constant 0 : i32
    %cond3A_20 = arith.cmpi ne, %convert_element_type3A_18, %cond3A_19 : i32
    scf.if %cond3A_20 {
      %get3A = arith.constant 0 : index
      %get3A_26 = arith.constant 0 : index
      %get3A_27 = vector.load %arg3[%get3A, %get3A_26] : memref<7552x9xf32, #tpu.memory_space<vmem>>, vector<7552x9xf32>
      %get3A_28 = arith.constant 2 : index
      %get3A_29 = arith.constant 0 : index
      %get3A_30 = arith.constant 0 : index
      %get3A_31 = vector.load %arg5[%get3A_28, %get3A_29, %get3A_30] : memref<4x12x32xf32, #tpu.memory_space<vmem>>, vector<1x9x32xf32>
      %get3A_32 = vector.shape_cast %get3A_31 : vector<1x9x32xf32> to vector<9x32xf32>
      %dot_general3A = arith.constant dense<0.000000e+00> : vector<7552x32xf32>
      %dot_general3A_33 = tpu.matmul %get3A_27, %get3A_32, %dot_general3A {dimension_numbers = #tpu.dot_dimension_numbers<[1], [0], [0], [1], [0, 0, 1, 1], [], []>, transpose_lhs_hint = false} : vector<7552x9xf32>, vector<9x32xf32>, vector<7552x32xf32> -> vector<7552x32xf32>
      %get3A_34 = arith.constant 2 : index
      %get3A_35 = arith.constant 0 : index
      %get3A_36 = vector.load %arg6[%get3A_34, %get3A_35] : memref<4x32xf32, #tpu.memory_space<vmem>>, vector<1x32xf32>
      %add3A_37 = vector.broadcast %get3A_36 : vector<1x32xf32> to vector<7552x32xf32>
      %add3A_38 = arith.addf %dot_general3A_33, %add3A_37 : vector<7552x32xf32>
      %swap3A = arith.constant 0 : index
      %swap3A_39 = arith.constant 0 : index
      %swap3A_40 = vector.load %arg7[%swap3A, %swap3A_39] : memref<7552x32xf32, #tpu.memory_space<vmem>>, vector<7552x32xf32>
      tpu.vector_store %arg7[%swap3A, %swap3A_39], %add3A_38 {strides = array<i32>} : memref<7552x32xf32, #tpu.memory_space<vmem>>, vector<7552x32xf32>,
    } else {
    }
    %eq3A_21 = arith.constant 3 : i32
    %eq3A_22 = arith.cmpi eq, %add3A_7, %eq3A_21 : i32
    %convert_element_type3A_23 = arith.extui %eq3A_22 : i1 to i32
    %cond3A_24 = arith.constant 0 : i32
    %cond3A_25 = arith.cmpi ne, %convert_element_type3A_23, %cond3A_24 : i32
    scf.if %cond3A_25 {
      %get3A = arith.constant 0 : index
      %get3A_26 = arith.constant 0 : index
      %get3A_27 = vector.load %arg4[%get3A, %get3A_26] : memref<7552x12xf32, #tpu.memory_space<vmem>>, vector<7552x12xf32>
      %get3A_28 = arith.constant 3 : index
      %get3A_29 = arith.constant 0 : index
      %get3A_30 = arith.constant 0 : index
      %get3A_31 = vector.load %arg5[%get3A_28, %get3A_29, %get3A_30] : memref<4x12x32xf32, #tpu.memory_space<vmem>>, vector<1x12x32xf32>
      %get3A_32 = vector.shape_cast %get3A_31 : vector<1x12x32xf32> to vector<12x32xf32>
      %dot_general3A = arith.constant dense<0.000000e+00> : vector<7552x32xf32>
      %dot_general3A_33 = tpu.matmul %get3A_27, %get3A_32, %dot_general3A {dimension_numbers = #tpu.dot_dimension_numbers<[1], [0], [0], [1], [0, 0, 1, 1], [], []>, transpose_lhs_hint = false} : vector<7552x12xf32>, vector<12x32xf32>, vector<7552x32xf32> -> vector<7552x32xf32>
      %get3A_34 = arith.constant 3 : index
      %get3A_35 = arith.constant 0 : index
      %get3A_36 = vector.load %arg6[%get3A_34, %get3A_35] : memref<4x32xf32, #tpu.memory_space<vmem>>, vector<1x32xf32>
      %add3A_37 = vector.broadcast %get3A_36 : vector<1x32xf32> to vector<7552x32xf32>
      %add3A_38 = arith.addf %dot_general3A_33, %add3A_37 : vector<7552x32xf32>
      %swap3A = arith.constant 0 : index
      %swap3A_39 = arith.constant 0 : index
      %swap3A_40 = vector.load %arg7[%swap3A, %swap3A_39] : memref<7552x32xf32, #tpu.memory_space<vmem>>, vector<7552x32xf32>
      tpu.vector_store %arg7[%swap3A, %swap3A_39], %add3A_38 {strides = array<i32>} : memref<7552x32xf32, #tpu.memory_space<vmem>>, vector<7552x32xf32>,
    } else {
    }
    return
  }
  func.func @transform_0(%arg0: i32) -> (i32, i32) {
    %jit3A = arith.constant 0 : i32
    %jit3A_0 = arith.constant 7 : i32
    %max3A = arith.maxsi %jit3A, %arg0 : i32
    %min3A = arith.minsi %jit3A_0, %max3A : i32
    %c0_i32 = arith.constant 0 : i32
    %c0_i32_1 = arith.constant 0 : i32
    return %min3A, %c0_i32 : i32, i32
  }
  func.func @transform_1(%arg0: i32) -> (i32, i32) {
    %sub3A = arith.constant 8 : i32
    %sub3A_0 = arith.subi %arg0, %sub3A : i32
    %jit3A = arith.constant 0 : i32
    %jit3A_1 = arith.constant 6 : i32
    %max3A = arith.maxsi %jit3A, %sub3A_0 : i32
    %min3A = arith.minsi %jit3A_1, %max3A : i32
    %c0_i32 = arith.constant 0 : i32
    %c0_i32_2 = arith.constant 0 : i32
    return %min3A, %c0_i32 : i32, i32
  }
  func.func @transform_2(%arg0: i32) -> (i32, i32) {
    %sub3A = arith.constant 15 : i32
    %sub3A_0 = arith.subi %arg0, %sub3A : i32
    %jit3A = arith.constant 0 : i32
    %jit3A_1 = arith.constant 12 : i32
    %max3A = arith.maxsi %jit3A, %sub3A_0 : i32
    %min3A = arith.minsi %jit3A_1, %max3A : i32
    %c0_i32 = arith.constant 0 : i32
    %c0_i32_2 = arith.constant 0 : i32
    return %min3A, %c0_i32 : i32, i32
  }
  func.func @transform_3(%arg0: i32) -> (i32, i32) {
    %c0_i32 = arith.constant 0 : i32
    %c0_i32_0 = arith.constant 0 : i32
    %c0_i32_1 = arith.constant 0 : i32
    return %c0_i32, %c0_i32_0 : i32, i32
  }
  func.func @transform_4(%arg0: i32) -> (i32, i32, i32) {
    %c0_i32 = arith.constant 0 : i32
    %c0_i32_0 = arith.constant 0 : i32
    %c0_i32_1 = arith.constant 0 : i32
    %c0_i32_2 = arith.constant 0 : i32
    return %c0_i32, %c0_i32_0, %c0_i32_1 : i32, i32, i32
  }
  func.func @transform_5(%arg0: i32) -> (i32, i32) {
    %c0_i32 = arith.constant 0 : i32
    %c0_i32_0 = arith.constant 0 : i32
    %c0_i32_1 = arith.constant 0 : i32
    return %c0_i32, %c0_i32_0 : i32, i32
  }
  func.func @transform_6(%arg0: i32) -> (i32, i32) {
    %c0_i32 = arith.constant 0 : i32
    %c0_i32_0 = arith.constant 0 : i32
    return %arg0, %c0_i32 : i32, i32
  }
}

module attributes {stable_mosaic.version = 14 : i64} {
  func.func @_node_body(%arg0: memref<6144x48xf32, #tpu.memory_space<vmem>>, %arg1: memref<3072x32xf32, #tpu.memory_space<vmem>>, %arg2: memref<2x32x16xf32, #tpu.memory_space<vmem>>, %arg3: memref<2x16xf32, #tpu.memory_space<vmem>>, %arg4: memref<3072x32xf32, #tpu.memory_space<vmem>>, %arg5: memref<3072x32xf32, #tpu.memory_space<vmem>>) attributes {dimension_semantics = [], scalar_prefetch = 0 : i64, scratch_operands = 0 : i64, tpu.core_type = #tpu.core_type<tc>} {
    %get3A = arith.constant 0 : index
    %get3A_0 = arith.constant 0 : index
    %get3A_1 = vector.load %arg0[%get3A, %get3A_0] : memref<6144x48xf32, #tpu.memory_space<vmem>>, vector<3072x32xf32>
    %get3A_2 = arith.constant 3072 : index
    %get3A_3 = arith.constant 0 : index
    %get3A_4 = vector.load %arg0[%get3A_2, %get3A_3] : memref<6144x48xf32, #tpu.memory_space<vmem>>, vector<3072x32xf32>
    %add3A = arith.addf %get3A_1, %get3A_4 : vector<3072x32xf32>
    %get3A_5 = arith.constant 0 : index
    %get3A_6 = arith.constant 32 : index
    %get3A_7 = vector.load %arg0[%get3A_5, %get3A_6] : memref<6144x48xf32, #tpu.memory_space<vmem>>, vector<3072x1xf32>
    %get3A_8 = arith.constant 3072 : index
    %get3A_9 = arith.constant 32 : index
    %get3A_10 = vector.load %arg0[%get3A_8, %get3A_9] : memref<6144x48xf32, #tpu.memory_space<vmem>>, vector<3072x1xf32>
    %add3A_11 = arith.addf %get3A_7, %get3A_10 : vector<3072x1xf32>
    %max3A = arith.constant 1.000000e+00 : f32
    %max3A_12 = vector.broadcast %max3A : f32 to vector<3072x1xf32>
    %max3A_13 = arith.maximumf %add3A_11, %max3A_12 : vector<3072x1xf32>
    %get3A_14 = arith.constant 0 : index
    %get3A_15 = arith.constant 0 : index
    %get3A_16 = arith.constant 0 : index
    %get3A_17 = vector.load %arg2[%get3A_14, %get3A_15, %get3A_16] : memref<2x32x16xf32, #tpu.memory_space<vmem>>, vector<1x32x16xf32>
    %get3A_18 = vector.shape_cast %get3A_17 : vector<1x32x16xf32> to vector<32x16xf32>
    %slice3A = vector.extract_strided_slice %get3A_18 {offsets = [0, 0], sizes = [16, 16], strides = [1, 1]} : vector<32x16xf32> to vector<16x16xf32>
    %slice3A_19 = vector.extract_strided_slice %get3A_18 {offsets = [16, 0], sizes = [16, 16], strides = [1, 1]} : vector<32x16xf32> to vector<16x16xf32>
    %get3A_20 = arith.constant 0 : index
    %get3A_21 = arith.constant 0 : index
    %get3A_22 = vector.load %arg1[%get3A_20, %get3A_21] : memref<3072x32xf32, #tpu.memory_space<vmem>>, vector<3072x16xf32>
    %slice3A_23 = vector.extract_strided_slice %add3A {offsets = [0, 0], sizes = [3072, 16], strides = [1, 1]} : vector<3072x32xf32> to vector<3072x16xf32>
    %sub3A = arith.subf %slice3A, %slice3A_19 : vector<16x16xf32>
    %dot_general3A = arith.constant dense<0.000000e+00> : vector<3072x16xf32>
    %dot_general3A_24 = tpu.matmul %get3A_22, %sub3A, %dot_general3A {dimension_numbers = #tpu.dot_dimension_numbers<[1], [0], [0], [1], [0, 0, 1, 1], [], []>, transpose_lhs_hint = false} : vector<3072x16xf32>, vector<16x16xf32>, vector<3072x16xf32> -> vector<3072x16xf32>
    %get3A_25 = arith.constant 0 : index
    %get3A_26 = arith.constant 0 : index
    %get3A_27 = vector.load %arg3[%get3A_25, %get3A_26] : memref<2x16xf32, #tpu.memory_space<vmem>>, vector<1x16xf32>
    %get3A_28 = vector.shape_cast %get3A_27 : vector<1x16xf32> to vector<16xf32>
    %broadcast_in_dim3A = vector.shape_cast %get3A_28 : vector<16xf32> to vector<1x16xf32>
    %add3A_29 = vector.broadcast %broadcast_in_dim3A : vector<1x16xf32> to vector<3072x16xf32>
    %add3A_30 = arith.addf %dot_general3A_24, %add3A_29 : vector<3072x16xf32>
    %mul3A = vector.broadcast %add3A_11 : vector<3072x1xf32> to vector<3072x16xf32>
    %mul3A_31 = arith.mulf %mul3A, %add3A_30 : vector<3072x16xf32>
    %dot_general3A_32 = arith.constant dense<0.000000e+00> : vector<3072x16xf32>
    %dot_general3A_33 = tpu.matmul %slice3A_23, %slice3A_19, %dot_general3A_32 {dimension_numbers = #tpu.dot_dimension_numbers<[1], [0], [0], [1], [0, 0, 1, 1], [], []>, transpose_lhs_hint = false} : vector<3072x16xf32>, vector<16x16xf32>, vector<3072x16xf32> -> vector<3072x16xf32>
    %add3A_34 = arith.addf %mul3A_31, %dot_general3A_33 : vector<3072x16xf32>
    %max3A_35 = arith.constant 0.000000e+00 : f32
    %max3A_36 = vector.broadcast %max3A_35 : f32 to vector<3072x16xf32>
    %max3A_37 = arith.maximumf %add3A_34, %max3A_36 : vector<3072x16xf32>
    %div3A = vector.broadcast %max3A_13 : vector<3072x1xf32> to vector<3072x16xf32>
    %div3A_38 = arith.divf %max3A_37, %div3A : vector<3072x16xf32>
    %concatenate3A = tpu.concatenate %div3A_38, %get3A_22 in 1 : vector<3072x16xf32>, vector<3072x16xf32> -> vector<3072x32xf32>
    %swap3A = arith.constant 0 : index
    %swap3A_39 = arith.constant 0 : index
    %swap3A_40 = vector.load %arg4[%swap3A, %swap3A_39] : memref<3072x32xf32, #tpu.memory_space<vmem>>, vector<3072x32xf32>
    tpu.vector_store %arg4[%swap3A, %swap3A_39], %concatenate3A {strides = array<i32>} : memref<3072x32xf32, #tpu.memory_space<vmem>>, vector<3072x32xf32>,
    %get3A_41 = arith.constant 1 : index
    %get3A_42 = arith.constant 0 : index
    %get3A_43 = arith.constant 0 : index
    %get3A_44 = vector.load %arg2[%get3A_41, %get3A_42, %get3A_43] : memref<2x32x16xf32, #tpu.memory_space<vmem>>, vector<1x32x16xf32>
    %get3A_45 = vector.shape_cast %get3A_44 : vector<1x32x16xf32> to vector<32x16xf32>
    %slice3A_46 = vector.extract_strided_slice %get3A_45 {offsets = [0, 0], sizes = [16, 16], strides = [1, 1]} : vector<32x16xf32> to vector<16x16xf32>
    %slice3A_47 = vector.extract_strided_slice %get3A_45 {offsets = [16, 0], sizes = [16, 16], strides = [1, 1]} : vector<32x16xf32> to vector<16x16xf32>
    %get3A_48 = arith.constant 0 : index
    %get3A_49 = arith.constant 16 : index
    %get3A_50 = vector.load %arg1[%get3A_48, %get3A_49] : memref<3072x32xf32, #tpu.memory_space<vmem>>, vector<3072x16xf32>
    %slice3A_51 = vector.extract_strided_slice %add3A {offsets = [0, 16], sizes = [3072, 16], strides = [1, 1]} : vector<3072x32xf32> to vector<3072x16xf32>
    %sub3A_52 = arith.subf %slice3A_46, %slice3A_47 : vector<16x16xf32>
    %dot_general3A_53 = arith.constant dense<0.000000e+00> : vector<3072x16xf32>
    %dot_general3A_54 = tpu.matmul %get3A_50, %sub3A_52, %dot_general3A_53 {dimension_numbers = #tpu.dot_dimension_numbers<[1], [0], [0], [1], [0, 0, 1, 1], [], []>, transpose_lhs_hint = false} : vector<3072x16xf32>, vector<16x16xf32>, vector<3072x16xf32> -> vector<3072x16xf32>
    %get3A_55 = arith.constant 1 : index
    %get3A_56 = arith.constant 0 : index
    %get3A_57 = vector.load %arg3[%get3A_55, %get3A_56] : memref<2x16xf32, #tpu.memory_space<vmem>>, vector<1x16xf32>
    %get3A_58 = vector.shape_cast %get3A_57 : vector<1x16xf32> to vector<16xf32>
    %broadcast_in_dim3A_59 = vector.shape_cast %get3A_58 : vector<16xf32> to vector<1x16xf32>
    %add3A_60 = vector.broadcast %broadcast_in_dim3A_59 : vector<1x16xf32> to vector<3072x16xf32>
    %add3A_61 = arith.addf %dot_general3A_54, %add3A_60 : vector<3072x16xf32>
    %mul3A_62 = vector.broadcast %add3A_11 : vector<3072x1xf32> to vector<3072x16xf32>
    %mul3A_63 = arith.mulf %mul3A_62, %add3A_61 : vector<3072x16xf32>
    %dot_general3A_64 = arith.constant dense<0.000000e+00> : vector<3072x16xf32>
    %dot_general3A_65 = tpu.matmul %slice3A_51, %slice3A_47, %dot_general3A_64 {dimension_numbers = #tpu.dot_dimension_numbers<[1], [0], [0], [1], [0, 0, 1, 1], [], []>, transpose_lhs_hint = false} : vector<3072x16xf32>, vector<16x16xf32>, vector<3072x16xf32> -> vector<3072x16xf32>
    %add3A_66 = arith.addf %mul3A_63, %dot_general3A_65 : vector<3072x16xf32>
    %max3A_67 = arith.constant 0.000000e+00 : f32
    %max3A_68 = vector.broadcast %max3A_67 : f32 to vector<3072x16xf32>
    %max3A_69 = arith.maximumf %add3A_66, %max3A_68 : vector<3072x16xf32>
    %div3A_70 = vector.broadcast %max3A_13 : vector<3072x1xf32> to vector<3072x16xf32>
    %div3A_71 = arith.divf %max3A_69, %div3A_70 : vector<3072x16xf32>
    %concatenate3A_72 = tpu.concatenate %div3A_71, %get3A_50 in 1 : vector<3072x16xf32>, vector<3072x16xf32> -> vector<3072x32xf32>
    %swap3A_73 = arith.constant 0 : index
    %swap3A_74 = arith.constant 0 : index
    %swap3A_75 = vector.load %arg5[%swap3A_73, %swap3A_74] : memref<3072x32xf32, #tpu.memory_space<vmem>>, vector<3072x32xf32>
    tpu.vector_store %arg5[%swap3A_73, %swap3A_74], %concatenate3A_72 {strides = array<i32>} : memref<3072x32xf32, #tpu.memory_space<vmem>>, vector<3072x32xf32>,
    return
  }
}

module attributes {stable_mosaic.version = 14 : i64} {
  func.func @_val_body(%arg0: memref<512x192xf32, #tpu.memory_space<vmem>>, %arg1: memref<512x192xf32, #tpu.memory_space<vmem>>, %arg2: memref<192x1xf32, #tpu.memory_space<vmem>>, %arg3: memref<192x1xf32, #tpu.memory_space<vmem>>, %arg4: memref<1x1xf32, #tpu.memory_space<vmem>>, %arg5: memref<1x1xf32, #tpu.memory_space<vmem>>, %arg6: memref<512x1xf32, #tpu.memory_space<vmem>>, %arg7: memref<512x1xf32, #tpu.memory_space<vmem>>) attributes {dimension_semantics = [], scalar_prefetch = 0 : i64, scratch_operands = 0 : i64, tpu.core_type = #tpu.core_type<tc>} {
    %get3A = arith.constant 0 : index
    %get3A_0 = arith.constant 0 : index
    %get3A_1 = vector.load %arg0[%get3A, %get3A_0] : memref<512x192xf32, #tpu.memory_space<vmem>>, vector<512x192xf32>
    %get3A_2 = arith.constant 0 : index
    %get3A_3 = arith.constant 0 : index
    %get3A_4 = vector.load %arg2[%get3A_2, %get3A_3] : memref<192x1xf32, #tpu.memory_space<vmem>>, vector<192x1xf32>
    %dot_general3A = arith.constant dense<0.000000e+00> : vector<512x1xf32>
    %dot_general3A_5 = tpu.matmul %get3A_1, %get3A_4, %dot_general3A {dimension_numbers = #tpu.dot_dimension_numbers<[1], [0], [0], [1], [0, 0, 1, 1], [], []>, transpose_lhs_hint = false} : vector<512x192xf32>, vector<192x1xf32>, vector<512x1xf32> -> vector<512x1xf32>
    %get3A_6 = arith.constant 0 : index
    %get3A_7 = arith.constant 0 : index
    %get3A_8 = vector.load %arg4[%get3A_6, %get3A_7] : memref<1x1xf32, #tpu.memory_space<vmem>>, vector<1x1xf32>
    %get3A_9 = vector.extract %get3A_8[0, 0] : f32 from vector<1x1xf32>
    %add3A = vector.broadcast %get3A_9 : f32 to vector<512x1xf32>
    %add3A_10 = arith.addf %dot_general3A_5, %add3A : vector<512x1xf32>
    %swap3A = arith.constant 0 : index
    %swap3A_11 = arith.constant 0 : index
    %swap3A_12 = vector.load %arg6[%swap3A, %swap3A_11] : memref<512x1xf32, #tpu.memory_space<vmem>>, vector<512x1xf32>
    tpu.vector_store %arg6[%swap3A, %swap3A_11], %add3A_10 {strides = array<i32>} : memref<512x1xf32, #tpu.memory_space<vmem>>, vector<512x1xf32>,
    %get3A_13 = arith.constant 0 : index
    %get3A_14 = arith.constant 0 : index
    %get3A_15 = vector.load %arg1[%get3A_13, %get3A_14] : memref<512x192xf32, #tpu.memory_space<vmem>>, vector<512x192xf32>
    %get3A_16 = arith.constant 0 : index
    %get3A_17 = arith.constant 0 : index
    %get3A_18 = vector.load %arg3[%get3A_16, %get3A_17] : memref<192x1xf32, #tpu.memory_space<vmem>>, vector<192x1xf32>
    %dot_general3A_19 = arith.constant dense<0.000000e+00> : vector<512x1xf32>
    %dot_general3A_20 = tpu.matmul %get3A_15, %get3A_18, %dot_general3A_19 {dimension_numbers = #tpu.dot_dimension_numbers<[1], [0], [0], [1], [0, 0, 1, 1], [], []>, transpose_lhs_hint = false} : vector<512x192xf32>, vector<192x1xf32>, vector<512x1xf32> -> vector<512x1xf32>
    %get3A_21 = arith.constant 0 : index
    %get3A_22 = arith.constant 0 : index
    %get3A_23 = vector.load %arg5[%get3A_21, %get3A_22] : memref<1x1xf32, #tpu.memory_space<vmem>>, vector<1x1xf32>
    %get3A_24 = vector.extract %get3A_23[0, 0] : f32 from vector<1x1xf32>
    %add3A_25 = vector.broadcast %get3A_24 : f32 to vector<512x1xf32>
    %add3A_26 = arith.addf %dot_general3A_20, %add3A_25 : vector<512x1xf32>
    %swap3A_27 = arith.constant 0 : index
    %swap3A_28 = arith.constant 0 : index
    %swap3A_29 = vector.load %arg7[%swap3A_27, %swap3A_28] : memref<512x1xf32, #tpu.memory_space<vmem>>, vector<512x1xf32>
    tpu.vector_store %arg7[%swap3A_27, %swap3A_28], %add3A_26 {strides = array<i32>} : memref<512x1xf32, #tpu.memory_space<vmem>>, vector<512x1xf32>,
    return
  }
}

</mosaic_0001>

<sc_bundles>
// kernel: kernel.6.cloned.1.call-start
scs
__scs_entry_jumppad:
0x0: {  	(pc) =	sbr.rel $0x88, $3  }
0x1: {  	(tag) =	ssettag $0x0;
	lr =	simm.s32 $0x1  }
0x2: {  	[smem:$0x3F83] =	sst lr;
	_ =	strace $0xD0000000  }
0x3: {  	_ = 	snop  }
0x4: {  	_ = 	snop  }
0x5: {  	_ = 	snop  }
0x6: {  	_ = 	snop  }
0x7: {  	_ = 	snop  }
__scs_overlays_trampoline_lowered:
0x8: {  	[smem:$0x3F92] =	sst s0  }
0x9: {  	[smem:$0x3F93] =	sst s1  }
0xa: {  	[smem:$0x3F94] =	sst s2  }
0xb: {  	[smem:$0x3F95] =	sst s3  }
0xc: {  	[smem:$0x3F96] =	sst s4  }
0xd: {  	[smem:$0x3F97] =	sst s5  }
0xe: {  	[smem:$0x3F98] =	sst s6  }
0xf: {  	[smem:$0x3F99] =	sst s7  }
0x10: {  	[smem:$0x3F9A] =	sst s8  }
0x11: {  	[smem:$0x3F9B] =	sst s9;
	s0 =	simm.s32 @!p0 $0x0  }
0x12: {  	s1 =	sld [smem:$0x3F81];
	s0 =	simm.s32 @p0 $0x1  }
0x13: {  	[smem:$0x3F9C] =	sst s0;
	s0 =	simm.s32 @!p1 $0x0  }
0x14: {  	s2 =	sld [smem:$0x3F80];
	s0 =	simm.s32 @p1 $0x1  }
0x15: {  	[smem:$0x3F9D] =	sst s0;
	s0 =	simm.s32 @!p2 $0x0  }
0x16: {  	s3 =	sld [smem:$0x3FDB];
	s0 =	simm.s32 @p2 $0x1  }
0x17: {  	s4 =	simm.s32 $0x1BF5;
	[smem:$0x3F9F] =	sst s0  }
0x18: {  	s0 =	sld [smem:$0x3F82];
	_ =	swait.ge [sflag:s4], $0x0  }
0x19: {  	s7 =	sld [smem:$0x3F83]  }
0x1a: {  	s8 =	sadd.s32 $0xFFFFE003, lr  }
0x1b: {  	s9 =	sadd.s32 $0xFFFFFEF7, lr;
	s5 =	simm.s32 $0xFFFFFFFF;
	p2 =	slt.u32 s8, $0xFFFFF086  }
0x1c: {  	p1 =	slt.u32 s9, $0xF7A;
	s5 =	simm.s32 @!p2 $0x0  }
0x1d: {  	s5 =	simm.s32 @p1 $0x1;
	p0 =	seq.s32 s7, s2  }
0x1e: {  	s7 =	smul.u32 @!p0 $0xF7A, s2;
	p2 =	seq.s32 @!p0 s5, $0x0  }
0x1f: {  	s9 =	smul.u32 $0xF7A, s1;
	s8 =	simm.s32 @!p0 $0x1BF5;
	p2 =	por !p2, p0  }
0x20: {  	[sflag:s8] =	ssyncset.s32 @!p0 $0xFFFFF086;
	s6 =	sadd.s32 @!p0 s3, s7;
	s7 =	simm.s32 @!p0 $0x108  }
0x21: {  	s3 =	sadd.s32 s3, s9;
	s6 =	sadd.s32 @!p0 $0x88, s6;
	s7 =	simm.s32 @p2 $0x1082  }
0x22: {  	[simem:s7], [sflag:s8] =	dma.local @!p0 [hbm:s6], $0xF7A  }
0x23: {  	s9 =	sor.u32 $0xD0000000, s2;
	s6 =	simm.s32 $0x108;
	_ =	swait.ge @!p0 [sflag:s8], $0x0  }
0x24: {  	s3 =	sadd.s32 $0x88, s3;
	s6 =	simm.s32 @!p1 $0x1082;
	[sflag:s4] =	ssyncset.s32 $0xFFFFF086  }
0x25: {  	[simem:s6], [sflag:s4] =	dma.local [hbm:s3], $0xF7A  }
0x26: {  	[smem:$0x3F83] =	sst s1;
	(tag) =	ssettag s2;
	_ =	strace s9  }
0x27: {  	s1 =	sld [smem:$0x3F93]  }
0x28: {  	s2 =	sld [smem:$0x3F94]  }
0x29: {  	s4 =	sld [smem:$0x3F96]  }
0x2a: {  	p0 =	seq.s32 s5, $0x0;
	s5 =	sld [smem:$0x3F97]  }
0x2b: {  	s6 =	sld [smem:$0x3F98]  }
0x2c: {  	s7 =	sld [smem:$0x3F99]  }
0x2d: {  	s3 =	simm.s32 $0x108;
	s8 =	sld [smem:$0x3F9A]  }
0x2e: {  	s3 =	simm.s32 @!p0 $0x1082;
	s9 =	sld [smem:$0x3F9B]  }
0x2f: {  	lr =	sadd.s32 s0, s3;
	s0 =	sld [smem:$0x3F92]  }
0x30: {  	s3 =	sld [smem:$0x3F95]  }
0x31: {  	[smem:$0x3F9E] =	sst s10  }
0x32: {  	s10 =	sld [smem:$0x3F9C];
	_ =	sdelay $0x3  }
0x33: {  	p0 =	seq.s32 s10, $0x1;
	s10 =	sld [smem:$0x3F9E];
	_ =	sdelay $0x3  }
0x34: {  	[smem:$0x3F9E] =	sst s10  }
0x35: {  	s10 =	sld [smem:$0x3F9D];
	_ =	sdelay $0x3  }
0x36: {  	p1 =	seq.s32 s10, $0x1;
	s10 =	sld [smem:$0x3F9E];
	_ =	sdelay $0x3  }
0x37: {  	[smem:$0x3F9E] =	sst s10  }
0x38: {  	s10 =	sld [smem:$0x3F9F]  }
0x39: {  	_ = 	snop;
	(pc) =	sbr.ind lr, $3  }
0x3a: {  	_ = 	snop  }
0x3b: {  	_ = 	snop  }
0x3c: {  	p2 =	seq.s32 s10, $0x1;
	s10 =	sld [smem:$0x3F9E]  }
0x3d: {  	_ =	shalt  }
0x3e: {  	_ =	shalt  }
0x3f: {  	_ =	shalt  }
0x40: {  	_ =	shalt  }
0x41: {  	_ =	shalt  }
0x42: {  	_ =	shalt  }
0x43: {  	_ =	shalt  }
0x44: {  	_ =	shalt  }
0x45: {  	_ =	shalt  }
0x46: {  	_ =	shalt  }
0x47: {  	_ =	shalt  }
0x48: {  	_ =	shalt  }
0x49: {  	_ =	shalt  }
0x4a: {  	_ =	shalt  }
0x4b: {  	_ =	shalt  }
0x4c: {  	_ =	shalt  }
0x4d: {  	_ =	shalt  }
0x4e: {  	_ =	shalt  }
0x4f: {  	_ =	shalt  }
0x50: {  	_ =	shalt  }
0x51: {  	_ =	shalt  }
0x52: {  	_ =	shalt  }
0x53: {  	_ =	shalt  }
0x54: {  	_ =	shalt  }
0x55: {  	_ =	shalt  }
0x56: {  	_ =	shalt  }
0x57: {  	_ =	shalt  }
0x58: {  	_ =	shalt  }
0x59: {  	_ =	shalt  }
0x5a: {  	_ =	shalt  }
0x5b: {  	_ =	shalt  }
0x5c: {  	_ =	shalt  }
0x5d: {  	_ =	shalt  }
0x5e: {  	_ =	shalt  }
0x5f: {  	_ =	shalt  }
0x60: {  	_ =	shalt  }
0x61: {  	_ =	shalt  }
0x62: {  	_ =	shalt  }
0x63: {  	_ =	shalt  }
0x64: {  	_ =	shalt  }
0x65: {  	_ =	shalt  }
0x66: {  	_ =	shalt  }
0x67: {  	_ =	shalt  }
0x68: {  	_ =	shalt  }
0x69: {  	_ =	shalt  }
0x6a: {  	_ =	shalt  }
0x6b: {  	_ =	shalt  }
0x6c: {  	_ =	shalt  }
0x6d: {  	_ =	shalt  }
0x6e: {  	_ =	shalt  }
0x6f: {  	_ =	shalt  }
0x70: {  	_ =	shalt  }
0x71: {  	_ =	shalt  }
0x72: {  	_ =	shalt  }
0x73: {  	_ =	shalt  }
0x74: {  	_ =	shalt  }
0x75: {  	_ =	shalt  }
0x76: {  	_ =	shalt  }
0x77: {  	_ =	shalt  }
0x78: {  	_ =	shalt  }
0x79: {  	_ =	shalt  }
0x7a: {  	_ =	shalt  }
0x7b: {  	_ =	shalt  }
0x7c: {  	_ =	shalt  }
0x7d: {  	_ =	shalt  }
0x7e: {  	_ =	shalt  }
0x7f: {  	_ =	shalt  }
0x80: {  	_ =	shalt  }
0x81: {  	_ =	shalt  }
0x82: {  	_ =	shalt  }
0x83: {  	_ =	shalt  }
0x84: {  	_ =	shalt  }
0x85: {  	_ =	shalt  }
0x86: {  	_ =	shalt  }
0x87: {  	_ =	shalt  }
.Lfunc_end0:
.L_simem_size_0:
called_computation_lowered:
.L_overlay_start_0:
0x88: {  	s2 =	sld [smem:$0x3FD9]  }
0x89: {  	s3 =	sld [smem:$0x3FFE];
	_ =	sdelay $0x1  }
0x8a: {  	s1 =	srdreg.scid  }
0x8b: {  	s0 =	sand.u32 $0x1, s1  }
0x8c: {  	s16 =	sshll.u32 s0, $0xA;
	s2 =	sadd.s32 s3, s2  }
0x8d: {  	s2 =	sadd.s32 s2, s16  }
0x8e: {  	[smem:$0x3FAA] =	sst s2  }
0x8f: {  	_ = 	snop  }
0x90: {  	(tm) =	ssettm $0x1  }
0x91: {  	s17 =	sld [smem:$0x3FFB];
	_ =	sdelay $0x3  }
0x92: {  	_ =	strace s17  }
0x93: {  	s2 =	sld [smem:$0x3FFC];
	_ =	sdelay $0x3  }
0x94: {  	_ =	strace s2  }
0x95: {  	s2 =	sld [smem:$0x3FFD];
	_ =	sdelay $0x3  }
0x96: {  	_ =	strace s2  }
0x97: {  	_ =	strace $0x8FFFFFFF  }
0x98: {  	s18 =	sld [smem:$0x3FDB];
	_ =	sdelay $0x1  }
0x99: {  	s19 =	simm.s32 $_scs_section_size  }
0x9a: {  	s4 =	simm.s32 $_size__tile_overlayer_lowered;
	s5 =	simm.s32 $_tile_overlayer_lowered  }
0x9b: {  	s22 =	simm.s32 $0x1BFF;
	s21 =	sshll.u32 s5, $0x1;
	s2 =	sadd.s32 s19, s18  }
0x9c: {  	s6 =	simm.s32 $0x0;
	s20 =	sshll.u32 s4, $0x1;
	s4 =	sadd.s32 s21, s2  }
0x9d: {  	[timem:s6], [sflag:s22] =	dma.local [hbm:s4], s20  }
0x9e: {  	_ =	swait.ge [sflag:s22], s20  }
0x9f: {  	s3 =	ssub.s32 $0x0, s20;
	[sflag:s22] =	ssyncset.done $0x0  }
0xa0: {  	[sflag:s22] =	ssyncadd.s32 s3;
	_ =	sdelay $0x1  }
0xa1: {  	s23 =	simm.s32 $0x1B8B  }
0xa2: {  	_ =	swait.ge [sflag:s23], $0x1  }
0xa3: {  	[sflag:s23] =	ssyncset.done $0x0  }
0xa4: {  	s25 =	simm.s32 $0x1B8E;
	s24 =	sld [smem:$0x3FFE];
	[sflag:s23] =	ssyncadd.s32 $0xFFFFFFFF  }
0xa5: {  	s26 =	simm.s32 $execute0_lowered;
	[smem:$0x3FD2] =	sst s25  }
0xa6: {  	s4 =	sshll.u32 s26, $0x1;
	_ =	strace $0x80000046;
	[dreg:$0x1] =	wrdreg $0xFFFFFFFF  }
0xa7: {  	s28 =	simm.s32 $_size_execute0_lowered;
	s2 =	sadd.s32 s2, s4;
	[dreg:$0x0] =	wrdreg $0x0  }
0xa8: {  	s4 =	sshll.u32 s28, $0x1;
	[dreg:$0x2] =	wrdreg s2  }
0xa9: {  	[dreg:$0x3] =	wrdreg s4  }
0xaa: {  	[dreg:$0x4] =	wrdreg $0xC0  }
0xab: {  	_ =	task [dreg:s6], $0x5FFFF  }
0xac: {  	[dreg:$0x1] =	wrdreg $0xFFFFFFFF  }
0xad: {  	[dreg:$0x0] =	wrdreg $0x60  }
0xae: {  	[dreg:$0x2] =	wrdreg s24  }
0xaf: {  	[dreg:$0x3] =	wrdreg $0x12A800  }
0xb0: {  	[dreg:$0x4] =	wrdreg $0x9  }
0xb1: {  	_ =	task.clear_ibuf [dreg:s6], $0x5FFFF;
	_ =	strace $0x90000046  }
0xb2: {  	s29 =	simm.s32 $0x9;
	_ =	strace $0x80000048  }
0xb3: {  	_ =	swait.ge [sflag:s29], $0x1  }
0xb4: {  	[sflag:s29] =	ssyncadd.s32 $0xFFFFFFFF  }
0xb5: {  	_ =	strace $0x90000048  }
0xb6: {  	_ =	sfence  }
0xb7: {  	s30 =	sld [smem:$0x0];
	_ =	sdelay $0x2  }
0xb8: {  	s31 =	sshll.u32 s1, $0xD;
	s1 =	sshrl.u32 s1, $0x2  }
0xb9: {  	s3 =	sand.u32 $0x4000, s31;
	s1 =	sadd.s32 s1, s30  }
0xba: {  	s0 =	sor.u32 s3, s0;
	s1 =	sshll.u32 s1, $0x11  }
0xbb: {  	s0 =	sor.u32 s1, s0  }
0xbc: {  	s0 =	sadd.s32 $0x8F2B, s0  }
0xbd: {  	[sflag:s0] =	ssyncadd.remote.s32 $0x1  }
0xbe: {  	_ =	sfence.sel $0xFFFF  }
0xbf: {  	[dreg:$0x0] =	wrdreg $0xFFFFFFFF;
	(pc) =	sbr.abs _section_cstart, $3  }
0xc0: {  	[dreg:$0x1] =	wrdreg $0xFFFFFFFF  }
0xc1: {  	_ =	task.clear_ibuf [dreg:s6], $0x2FFFF;
	_ =	strace $0x9FFFFFFF  }
0xc2: {  	(tm) =	ssettm $0x7FFFFFFF  }
0xc3: {  	_ =	shalt  }
tec
execute0_lowered:
.L_overlay_start_1:
0x0: {  	(tag) =	ssettag $0x1  }
0x1: {  	s1 =	srdreg.scid;
	s7 =	rddreg [dreg:$0x0]  }
0x2: {  	s0 =	stileid.u32;
	s2 =	rddreg [dreg:$0x1]  }
0x3: {  	s3 =	simm.s32 $0x0;
	s12 =	simm.s32 $0x3320;
	s13 =	simm.s32 $0x6640  }
0x4: {  	s14 =	simm.s32 $0x9A40;
	s16 =	simm.s32 $0x80;
	s17 =	simm.s32 $0xCE40  }
0x5: {  	s18 =	simm.s32 $0x1;
	s19 =	simm.s32 $0xEE40;
	s4 =	smul.u32 $0xC0, s0  }
0x6: {  	s20 =	simm.s32 $0x4;
	s21 =	simm.s32 $0x2;
	s9 =	smul.u32 $0x90C0, s0  }
0x7: {  	s6 =	sand.u32 $0x1, s1;
	s1 =	rddreg [dreg:$0x2];
	s11 =	smul.u32 $0x9000, s0  }
0x8: {  	[smem:$0x7FF] =	sst s3;
	s5 =	smul.u32 $0xC00, s6;
	s28 =	ssub.s32 $0x2, s6  }
0x9: {  	_ =	strace $0x80000047;
	s6 =	sshll.u32 s6, $0x4;
	s10 =	sshrl.u32 s28, $0x1  }
0xa: {  	s29 =	sor.u32 s0, s6;
	s30 =	sshrl.u32 s9, $0x2;
	s31 =	sshrl.u32 s11, $0x2  }
.Ltmp0:
0xb: {  	s11 =	simm.s32 $0x3;
	s4 =	sadd.s32 s4, s5;
	(pc) =	sbr.rel .LBB2_1-.Ltmp0, $4  }
0xc: {  	v0 =	vimm.f32 $0.0e+00;
	v1 =	vimm.f32 $1.000000000e+00;
	v2 =	vlaneseq.u32;
	s5 =	sadd.s32 $0x4400, s7;
	s10 =	ssub.s32 s28, s10;
	s8 =	smul.u32 $0x6, s4  }
0xd: {  	v3 =	vimm.s32 $0x0;
	v4 =	vimm.s32 $0xC00;
	v5 =	vor.u32 $0x10, v2;
	s6 =	sadd.s32 s30, s2;
	s15 =	sadd.s32 s31, s2;
	s4 =	sadd.s32 $0xDA200, s7  }
0xe: {  	v6 =	vor.u32 $0x20, v2;
	v7 =	vor.u32 $0x30, v2;
	v8 =	vor.u32 $0x40, v2;
	s9 =	smax.u32 s10, $0x1;
	s10 =	simm.s32 $0x10640;
	s8 =	sadd.s32 s8, s7  }
0xf: {  	v9 =	vor.u32 $0x50, v2;
	v10 =	vor.u32 $0x60, v2;
	v11 =	vor.u32 $0x70, v2;
	s15 =	sshrl.u32 s15, $0x3;
	s7 =	smul.u32 $0x19900, s29;
	s8 =	sadd.s32 $0x1A6A00, s8  }
.LBB2_19:
0x10: {  	s3 =	sadd.s32 $0x1, s3  }
0x11: {  	s22 =	sshll.u32 s0, $0x6;
	p0 =	sne.s32 s3, s9  }
.Ltmp1:
0x12: {  	[bflag:$0x0] =	sbarrier.arrive $0xFFFF;
	s22 =	sor.u32 $0x1C03, s22;
	(pc) =	sbr.rel @!p0 .LBB2_20-.Ltmp1, $4  }
0x13: {  	[hbm:s8], [sflag:s22] =	dma.local [spmem:s15], $0x480  }
0x14: {  	_ =	swait.ge [sflag:s11], $0x480  }
0x15: {  	[sflag:s11] =	ssyncset.done $0x0  }
0x16: {  	[sflag:s11] =	ssyncadd.s32 $0xFFFFFB80  }
.LBB2_1:
0x17: {  	s22 =	simm.s32 $0x0  }
.LBB2_2:
0x18: {  	p0 =	sne.s32 s22, $0x9000  }
.Ltmp2:
0x19: {  	_ = 	snop;
	(pc) =	sbr.rel @p0 .LBB2_2-.Ltmp2, $4  }
0x1a: {  	s23 =	sshra.s32 s22, $0x2  }
0x1b: {  	[tilespmem:s23+$0x10640] =	vst v0  }
0x1c: {  	[tilespmem:s23+$0x10650] =	vst v0  }
0x1d: {  	s22 =	sadd.s32 $0xC0, s22;
	[tilespmem:s23+$0x10660] =	vst v0  }
0x1e: {  	s22 =	simm.s32 $0x140;
	s23 =	simm.s32 $0x20  }
.LBB2_4:
0x1f: {  	p0 =	sne.s32 s22, $0x5FC0;
	[tilespmem:s23+$0xEE40] =	vst v1;
	s23 =	smov.u32 s22;
	s22 =	sadd.s32 $0xC0, s22  }
.Ltmp3:
0x20: {  	(pc) =	sbr.rel @p0 .LBB2_4-.Ltmp3, $2  }
0x21: {  	_ =	sdelay $0x2  }
0x22: {  	s23 =	sshra.s32 s23, $0x2  }
0x23: {  	[tilespmem:s23+$0xEE40] =	vst v1  }
0x24: {  	[spmem:s6] =	stream.linear.scatter [tilespmem:s10], [sflag:$0x3], $0x2430, $0x38;
	[tilespmem:$0x14EB0] =	vst v63  }
.Ltmp4:
0x25: {  	_ =	swait.ge [sflag:s11], $0x2430;
	(pc) =	sbr.rel .LBB2_6-.Ltmp4, $4  }
0x26: {  	[sflag:s11] =	ssyncset.done $0x0  }
0x27: {  	[sflag:s11] =	ssyncadd.s32 $0xFFFFDBD0  }
0x28: {  	[bflag:$0x0] =	sbarrier.arrive $0xFFFF  }
0x29: {  	s22 =	simm.s32 $0x0;
	s23 =	simm.s32 $0x0  }
.LBB2_18:
0x2a: {  	s23 =	sadd.s32 $0x1, s23  }
0x2b: {  	p0 =	sne.s32 s23, $0x8  }
.Ltmp5:
0x2c: {  	_ = 	snop;
	(pc) =	sbr.rel @!p0 .LBB2_19-.Ltmp5, $1  }
0x2d: {  	_ =	sdelay $0x3  }
.LBB2_6:
0x2e: {  	s24 =	smul.u32 $0x3320, s23;
	_ =	sdelay $0x1  }
0x2f: {  	s24 =	sadd.s32 s7, s24  }
0x30: {  	s24 =	sshrl.u32 s24, $0x3  }
0x31: {  	s24 =	sadd.s32 s4, s24  }
0x32: {  	s25 =	sadd.s32 $0x66400, s24  }
0x33: {  	[tilespmem:s22], [sflag:$0x3] =	stream.linear.gather [hbm4b:s25+s22], $0x3320, $0x38;
	[tilespmem:$0x14EB0] =	vst v63  }
0x34: {  	_ =	swait.ge [sflag:s11], $0x3320  }
0x35: {  	[sflag:s11] =	ssyncset.done $0x0  }
0x36: {  	[sflag:s11] =	ssyncadd.s32 $0xFFFFCCE0  }
0x37: {  	[tilespmem:s12], [sflag:$0x3] =	stream.linear.gather [hbm4b:s24+s22], $0x3320, $0x38;
	[tilespmem:$0x14EB0] =	vst v63  }
0x38: {  	_ =	swait.ge [sflag:s11], $0x3320  }
0x39: {  	[sflag:s11] =	ssyncset.done $0x0  }
0x3a: {  	s24 =	simm.s32 $0x0;
	[sflag:s11] =	ssyncadd.s32 $0xFFFFCCE0  }
0x3b: {  	v14 =	vld [tilespmem:s24+$0x0]  }
0x3c: {  	v13 =	vimm.s32 $0x0;
	s25 =	simm.s32 $0x80;
	v12 =	vld [tilespmem:s24+$0x10]  }
.LBB2_7:
0x3d: {  	p0 =	sne.s32 s25, $0xCC00;
	v15 =	vld [tilespmem:s24+$0x3320];
	_ =	sdelay $0x2  }
0x3e: {  	vm1 =	vgt.s32 v14, $0x325FF  }
0x3f: {  	v16 =	vsel vm1, $0x1, v3  }
0x40: {  	(xrf0) =	vadd.scan.msk.s32 $0xffff, v16;
	_ =	sdelay $0x5  }
0x41: {  	v16, _, _ =	vpop (xrf0)  }
0x42: {  	v16 =	vadd.s32 v16, v13  }
0x43: {  	v16 =	vadd.s32 $0xFFFFFFFF, v16  }
0x44: {  	vm0 =	vgt.s32 v12, $0x325FF;
	vm2 =	vgt.s32 v15, $0x1B1FF;
	vm3 =	vgt.s32 v15, $0x325FF  }
0x45: {  	v18 =	vsel vm0, $0x1, v3;
	v19 =	vmpcnt.ones.xlane vm0;
	v17 =	vsel vm2, $0x880, v3  }
0x46: {  	v15 =	vadd.s32 v15, v17;
	v17 =	vsel vm3, $0xB80, v3;
	(xrf0) =	vadd.scan.msk.s32 $0xffff, v18  }
0x47: {  	v15 =	vadd.s32 v17, v15  }
0x48: {  	v14 =	vadd.s32 $0xFFFCDA00, v14;
	[tilespmem:v16+s13+$0x0] =	vst.idx.msk vm1, v15  }
0x49: {  	[tilespmem:v16+s14+$0x0] =	vst.idx.msk vm1, v14  }
0x4a: {  	v16 =	vmpcnt.ones.xlane vm1;
	v15 =	vld [tilespmem:s24+$0x3330];
	_ =	sdelay $0x1  }
0x4b: {  	v13 =	vadd.s32 v13, v16;
	v14, _, _ =	vpop (xrf0)  }
0x4c: {  	v14 =	vadd.s32 v13, v14;
	v13 =	vadd.s32 v13, v19  }
0x4d: {  	v14 =	vadd.s32 $0xFFFFFFFF, v14  }
0x4e: {  	vm1 =	vgt.s32 v15, $0x1B1FF  }
0x4f: {  	v16 =	vsel vm1, $0x880, v3;
	vm1 =	vgt.s32 v15, $0x325FF  }
0x50: {  	v15 =	vadd.s32 v15, v16;
	v16 =	vsel vm1, $0xB80, v3  }
.Ltmp6:
0x51: {  	v15 =	vadd.s32 v16, v15;
	(pc) =	sbr.rel @p0 .LBB2_7-.Ltmp6, $4  }
0x52: {  	v12 =	vadd.s32 $0xFFFCDA00, v12;
	[tilespmem:v14+s13+$0x0] =	vst.idx.msk vm0, v15  }
0x53: {  	s24 =	sshra.s32 s25, $0x2;
	[tilespmem:v14+s14+$0x0] =	vst.idx.msk vm0, v12  }
0x54: {  	v14 =	vld [tilespmem:s24+$0x0]  }
0x55: {  	s25 =	sadd.s32 $0x80, s25;
	v12 =	vld [tilespmem:s24+$0x10]  }
0x56: {  	_ =	sdelay $0x2  }
0x57: {  	vm1 =	vgt.s32 v14, $0x325FF  }
0x58: {  	v15 =	vsel vm1, $0x1, v3  }
0x59: {  	(xrf0) =	vadd.scan.msk.s32 $0xffff, v15;
	_ =	sdelay $0x3  }
0x5a: {  	v47 =	vld [tilespmem:s24+$0x3320];
	_ =	sdelay $0x1  }
0x5b: {  	v16, _, _ =	vpop (xrf0)  }
0x5c: {  	v16 =	vadd.s32 v16, v13  }
0x5d: {  	v16 =	vadd.s32 $0xFFFFFFFF, v16  }
0x5e: {  	vm0 =	vgt.s32 v12, $0x325FF;
	vm2 =	vgt.s32 v47, $0x1B1FF  }
0x5f: {  	vm3 =	vgt.s32 v47, $0x325FF;
	v18 =	vsel vm0, $0x1, v3;
	v17 =	vsel vm2, $0x880, v3  }
0x60: {  	v48 =	vsel vm3, $0xB80, v3;
	v15 =	vadd.s32 v47, v17;
	(xrf0) =	vadd.scan.msk.s32 $0xffff, v18  }
0x61: {  	v15 =	vadd.s32 v48, v15  }
0x62: {  	v49 =	vadd.s32 $0xFFFCDA00, v14;
	[tilespmem:v16+s13+$0x0] =	vst.idx.msk vm1, v15  }
0x63: {  	v50 =	vmpcnt.ones.xlane vm1;
	[tilespmem:v16+s14+$0x0] =	vst.idx.msk vm1, v49  }
0x64: {  	v51 =	vmpcnt.ones.xlane vm0;
	v15 =	vld [tilespmem:s24+$0x3330]  }
0x65: {  	v52 =	vadd.s32 v13, v50  }
0x66: {  	v13 =	vadd.s32 v52, v51;
	v53, _, _ =	vpop (xrf0)  }
0x67: {  	v14 =	vadd.s32 v52, v53;
	v16 =	vadd.s32 $0x7F, v13  }
0x68: {  	v54 =	vadd.s32 v2, v13;
	v14 =	vadd.s32 $0xFFFFFFFF, v14;
	v16 =	vand.u32 $0xFFFFFF80, v16  }
0x69: {  	vm8 =	vlt.s32 v54, v16;
	vm6 =	vgt.s32 v15, $0x1B1FF  }
0x6a: {  	(v2sf) =	vpush v16, $0x0;
	vm7 =	vgt.s32 v15, $0x325FF;
	v55 =	vsel vm6, $0x880, v3  }
0x6b: {  	v19 =	vadd.s32 v5, v13;
	v56 =	vsel vm7, $0xB80, v3;
	v15 =	vadd.s32 v15, v55  }
0x6c: {  	vm9 =	vlt.s32 v19, v16;
	v15 =	vadd.s32 v56, v15  }
0x6d: {  	v57 =	vadd.s32 $0xFFFCDA00, v12;
	v58 =	vadd.s32 v6, v13;
	[tilespmem:v14+s13+$0x0] =	vst.idx.msk vm0, v15  }
0x6e: {  	vm10 =	vlt.s32 v58, v16;
	[tilespmem:v14+s14+$0x0] =	vst.idx.msk vm0, v57  }
0x6f: {  	v59 =	vadd.s32 v7, v13;
	[tilespmem:$0x12A70] =	vst v13  }
0x70: {  	vm11 =	vlt.s32 v59, v16;
	[tilespmem:v54+s13+$0x0] =	vst.idx.msk vm8, v3  }
0x71: {  	v60 =	vadd.s32 v8, v13;
	[tilespmem:v54+s14+$0x0] =	vst.idx.msk vm8, v4  }
0x72: {  	vm12 =	vlt.s32 v60, v16;
	[tilespmem:v19+s13+$0x0] =	vst.idx.msk vm9, v3  }
0x73: {  	v61 =	vadd.s32 v9, v13;
	[tilespmem:v19+s14+$0x0] =	vst.idx.msk vm9, v4  }
0x74: {  	vm13 =	vlt.s32 v61, v16;
	[tilespmem:v58+s13+$0x0] =	vst.idx.msk vm10, v3  }
0x75: {  	v62 =	vadd.s32 v10, v13;
	[tilespmem:v58+s14+$0x0] =	vst.idx.msk vm10, v4  }
0x76: {  	vm14 =	vlt.s32 v62, v16;
	[tilespmem:v59+s13+$0x0] =	vst.idx.msk vm11, v3  }
0x77: {  	v63 =	vadd.s32 v11, v13;
	[tilespmem:v59+s14+$0x0] =	vst.idx.msk vm11, v4  }
0x78: {  	vm15 =	vlt.s32 v63, v16;
	[tilespmem:v60+s13+$0x0] =	vst.idx.msk vm12, v3  }
0x79: {  	s24 =	spop (v2sf);
	[tilespmem:v60+s14+$0x0] =	vst.idx.msk vm12, v4  }
0x7a: {  	p0 =	seq.s32 s24, $0x0;
	[tilespmem:v61+s13+$0x0] =	vst.idx.msk vm13, v3  }
.Ltmp7:
0x7b: {  	[tilespmem:v61+s14+$0x0] =	vst.idx.msk vm13, v4;
	(pc) =	sbr.rel @p0 .LBB2_18-.Ltmp7, $4  }
0x7c: {  	[tilespmem:v62+s13+$0x0] =	vst.idx.msk vm14, v3  }
0x7d: {  	[tilespmem:v62+s14+$0x0] =	vst.idx.msk vm14, v4  }
0x7e: {  	[tilespmem:v63+s13+$0x0] =	vst.idx.msk vm15, v3  }
0x7f: {  	[tilespmem:v63+s14+$0x0] =	vst.idx.msk vm15, v4  }
.Ltmp8:
0x80: {  	(pc) =	sbr.rel .LBB2_10-.Ltmp8, $3  }
0x81: {  	_ =	sdelay $0x1  }
0x82: {  	[tilespmem:s17], [sflag:$0x1] =	stream.indirect.gather [hbm4b:s5+s16], $0x20, s13, s16, $0xb8;
	[tilespmem:$0x14EB0] =	vst v63  }
0x83: {  	s24 =	sshrl.u32 s24, $0x7;
	s26 =	simm.s32 $0x0  }
.LBB2_16:
0x84: {  	s29 =	sshra.s32 s29, $0x2  }
0x85: {  	[tilespmem:s29+$0xEDA0] =	vst v12  }
0x86: {  	v12 =	vld [tilespmem:s28+$0xFFFFFFD0];
	_ =	sdelay $0x4  }
0x87: {  	[tilespmem:s29+$0xEDB0] =	vst v12  }
0x88: {  	v12 =	vld [tilespmem:s28+$0xFFFFFFE0];
	_ =	sdelay $0x4  }
0x89: {  	[tilespmem:s29+$0xEDD0] =	vst v12  }
0x8a: {  	v12 =	vld [tilespmem:s28+$0xFFFFFFF0];
	_ =	sdelay $0x4  }
0x8b: {  	[tilespmem:s29+$0xEDE0] =	vst v12  }
0x8c: {  	v12 =	vld [tilespmem:s28+$0x0];
	_ =	sdelay $0x4  }
0x8d: {  	[tilespmem:s29+$0xEE00] =	vst v12  }
0x8e: {  	v12 =	vld [tilespmem:s28+$0x10];
	_ =	sdelay $0x4  }
0x8f: {  	[tilespmem:s29+$0xEE10] =	vst v12  }
0x90: {  	v12 =	vld [tilespmem:s28+$0x20];
	_ =	sdelay $0x4  }
0x91: {  	[tilespmem:s29+$0xEE30] =	vst v12  }
0x92: {  	v12 =	vld [tilespmem:s28+$0x30];
	_ =	sdelay $0x2  }
0x93: {  	s26 =	sshll.u32 s26, $0x9  }
0x94: {  	s26 =	sshra.s32 s26, $0x2  }
0x95: {  	s26 =	sadd.s32 $0x9A40, s26;
	[tilespmem:s29+$0xEE40] =	vst v12  }
0x96: {  	[spmem:s2] =	stream.indirect.scatter.add.f32 [tilespmem:s19], [sflag:$0x3], $0x30, s26, s16, $0xb8;
	[tilespmem:$0x14EB0] =	vst v63  }
0x97: {  	_ =	swait.ge [sflag:s11], $0x1800  }
0x98: {  	[sflag:s11] =	ssyncset.done $0x0  }
0x99: {  	[sflag:s11] =	ssyncadd.s32 $0xFFFFE800  }
.LBB2_17:
0x9a: {  	p0 =	sne.s32 s25, s24  }
.Ltmp9:
0x9b: {  	_ = 	snop;
	(pc) =	sbr.rel @!p0 .LBB2_18-.Ltmp9, $2  }
0x9c: {  	_ =	sdelay $0x2  }
0x9d: {  	s26 =	smov.u32 s25  }
.LBB2_10:
0x9e: {  	s25 =	sand.u32 $0x1, s26  }
0x9f: {  	p0 =	seq.s32 s25, $0x1  }
.Ltmp10:
0xa0: {  	_ = 	snop;
	(pc) =	sbr.rel @p0 .LBB2_14-.Ltmp10, $1  }
0xa1: {  	_ =	sdelay $0x3  }
0xa2: {  	s25 =	sor.u32 $0x1, s26  }
0xa3: {  	_ =	swait.ge [sflag:s18], $0x1000;
	p0 =	sge.u32 s25, s24  }
0xa4: {  	[sflag:s18] =	ssyncset.done $0x0;
	s28 =	sshll.u32 @!p0 s25, $0x9  }
0xa5: {  	[sflag:s18] =	ssyncadd.s32 $0xFFFFF000;
	s28 =	sshra.s32 @!p0 s28, $0x2  }
0xa6: {  	s29 =	simm.s32 @!p0 $0x80;
	s30 =	simm.s32 @!p0 $0xDE40;
	s28 =	sadd.s32 @!p0 $0x6640, s28  }
0xa7: {  	[tilespmem:s30], [sflag:$0x2] =	stream.indirect.gather @!p0 [hbm4b:s5+s29], $0x20, s28, s29, $0xb8;
	[tilespmem:$0x14EB0] =	vst v63  }
0xa8: {  	s28 =	simm.s32 $0xCE80  }
0xa9: {  	s29 =	simm.s32 $0x280;
	s30 =	simm.s32 $0x580;
	v12 =	vld [tilespmem:s28+$0xFFFFFFC0]  }
.LBB2_12:
0xaa: {  	p0 =	sne.s32 s30, $0x5F80;
	_ =	sdelay $0x2  }
0xab: {  	s31 =	sshra.s32 s29, $0x2;
	s29 =	smov.u32 s30  }
0xac: {  	[tilespmem:s31+$0xEDA0] =	vst v12  }
0xad: {  	v12 =	vld [tilespmem:s28+$0xFFFFFFD0];
	_ =	sdelay $0x4  }
0xae: {  	[tilespmem:s31+$0xEDB0] =	vst v12  }
0xaf: {  	v12 =	vld [tilespmem:s28+$0xFFFFFFE0];
	_ =	sdelay $0x4  }
0xb0: {  	[tilespmem:s31+$0xEDD0] =	vst v12  }
0xb1: {  	v12 =	vld [tilespmem:s28+$0xFFFFFFF0];
	_ =	sdelay $0x4  }
0xb2: {  	[tilespmem:s31+$0xEDE0] =	vst v12  }
0xb3: {  	v12 =	vld [tilespmem:s28+$0x0];
	_ =	sdelay $0x4  }
0xb4: {  	[tilespmem:s31+$0xEE00] =	vst v12  }
0xb5: {  	v12 =	vld [tilespmem:s28+$0x10];
	_ =	sdelay $0x4  }
0xb6: {  	[tilespmem:s31+$0xEE10] =	vst v12  }
0xb7: {  	v12 =	vld [tilespmem:s28+$0x20];
	_ =	sdelay $0x4  }
0xb8: {  	[tilespmem:s31+$0xEE30] =	vst v12  }
0xb9: {  	v12 =	vld [tilespmem:s28+$0x30];
	_ =	sdelay $0x1  }
.Ltmp11:
0xba: {  	(pc) =	sbr.rel @p0 .LBB2_12-.Ltmp11, $3  }
0xbb: {  	_ =	sdelay $0x1  }
0xbc: {  	s28 =	sadd.s32 $0x80, s28;
	[tilespmem:s31+$0xEE40] =	vst v12  }
0xbd: {  	s30 =	sadd.s32 $0x300, s30;
	v12 =	vld [tilespmem:s28+$0xFFFFFFC0]  }
0xbe: {  	_ =	sdelay $0x2  }
0xbf: {  	s29 =	sshra.s32 s29, $0x2  }
0xc0: {  	[tilespmem:s29+$0xEDA0] =	vst v12  }
0xc1: {  	v12 =	vld [tilespmem:s28+$0xFFFFFFD0];
	_ =	sdelay $0x4  }
0xc2: {  	[tilespmem:s29+$0xEDB0] =	vst v12  }
0xc3: {  	v12 =	vld [tilespmem:s28+$0xFFFFFFE0];
	_ =	sdelay $0x4  }
0xc4: {  	[tilespmem:s29+$0xEDD0] =	vst v12  }
0xc5: {  	v12 =	vld [tilespmem:s28+$0xFFFFFFF0];
	_ =	sdelay $0x4  }
0xc6: {  	[tilespmem:s29+$0xEDE0] =	vst v12  }
0xc7: {  	v12 =	vld [tilespmem:s28+$0x0];
	_ =	sdelay $0x4  }
0xc8: {  	[tilespmem:s29+$0xEE00] =	vst v12  }
0xc9: {  	v12 =	vld [tilespmem:s28+$0x10];
	_ =	sdelay $0x4  }
0xca: {  	[tilespmem:s29+$0xEE10] =	vst v12  }
0xcb: {  	v12 =	vld [tilespmem:s28+$0x20];
	_ =	sdelay $0x4  }
0xcc: {  	[tilespmem:s29+$0xEE30] =	vst v12  }
0xcd: {  	v12 =	vld [tilespmem:s28+$0x30];
	_ =	sdelay $0x2  }
0xce: {  	s26 =	sshll.u32 s26, $0x9  }
0xcf: {  	s26 =	sshra.s32 s26, $0x2  }
.Ltmp12:
0xd0: {  	s26 =	sadd.s32 $0x9A40, s26;
	[tilespmem:s29+$0xEE40] =	vst v12;
	(pc) =	sbr.rel .LBB2_17-.Ltmp12, $4  }
0xd1: {  	[spmem:s2] =	stream.indirect.scatter.add.f32 [tilespmem:s19], [sflag:$0x4], $0x30, s26, s16, $0xb8;
	[tilespmem:$0x14EB0] =	vst v63  }
0xd2: {  	_ =	swait.ge [sflag:s20], $0x1800  }
0xd3: {  	[sflag:s20] =	ssyncset.done $0x0  }
0xd4: {  	[sflag:s20] =	ssyncadd.s32 $0xFFFFE800  }
.LBB2_14:
0xd5: {  	s25 =	sadd.s32 $0x1, s26  }
0xd6: {  	_ =	swait.ge [sflag:s21], $0x1000;
	p0 =	sge.u32 s25, s24  }
0xd7: {  	[sflag:s21] =	ssyncset.done $0x0;
	s28 =	sshll.u32 @!p0 s25, $0x9  }
0xd8: {  	[sflag:s21] =	ssyncadd.s32 $0xFFFFF000;
	s28 =	sshra.s32 @!p0 s28, $0x2  }
0xd9: {  	s29 =	simm.s32 @!p0 $0x80;
	s30 =	simm.s32 @!p0 $0xCE40;
	s28 =	sadd.s32 @!p0 $0x6640, s28  }
0xda: {  	[tilespmem:s30], [sflag:$0x1] =	stream.indirect.gather @!p0 [hbm4b:s5+s29], $0x20, s28, s29, $0xb8;
	[tilespmem:$0x14EB0] =	vst v63  }
0xdb: {  	s28 =	simm.s32 $0xDE80  }
0xdc: {  	s29 =	simm.s32 $0x280;
	s30 =	simm.s32 $0x580;
	v12 =	vld [tilespmem:s28+$0xFFFFFFC0]  }
.LBB2_15:
0xdd: {  	p0 =	sne.s32 s30, $0x5F80;
	_ =	sdelay $0x2  }
0xde: {  	s31 =	sshra.s32 s29, $0x2;
	s29 =	smov.u32 s30  }
0xdf: {  	[tilespmem:s31+$0xEDA0] =	vst v12  }
0xe0: {  	v12 =	vld [tilespmem:s28+$0xFFFFFFD0];
	_ =	sdelay $0x4  }
0xe1: {  	[tilespmem:s31+$0xEDB0] =	vst v12  }
0xe2: {  	v12 =	vld [tilespmem:s28+$0xFFFFFFE0];
	_ =	sdelay $0x4  }
0xe3: {  	[tilespmem:s31+$0xEDD0] =	vst v12  }
0xe4: {  	v12 =	vld [tilespmem:s28+$0xFFFFFFF0];
	_ =	sdelay $0x4  }
0xe5: {  	[tilespmem:s31+$0xEDE0] =	vst v12  }
0xe6: {  	v12 =	vld [tilespmem:s28+$0x0];
	_ =	sdelay $0x4  }
0xe7: {  	[tilespmem:s31+$0xEE00] =	vst v12  }
0xe8: {  	v12 =	vld [tilespmem:s28+$0x10];
	_ =	sdelay $0x4  }
0xe9: {  	[tilespmem:s31+$0xEE10] =	vst v12  }
0xea: {  	v12 =	vld [tilespmem:s28+$0x20];
	_ =	sdelay $0x4  }
0xeb: {  	[tilespmem:s31+$0xEE30] =	vst v12  }
0xec: {  	v12 =	vld [tilespmem:s28+$0x30];
	_ =	sdelay $0x1  }
.Ltmp13:
0xed: {  	(pc) =	sbr.rel @p0 .LBB2_15-.Ltmp13, $3  }
0xee: {  	_ =	sdelay $0x1  }
0xef: {  	s28 =	sadd.s32 $0x80, s28;
	[tilespmem:s31+$0xEE40] =	vst v12  }
0xf0: {  	s30 =	sadd.s32 $0x300, s30;
	v12 =	vld [tilespmem:s28+$0xFFFFFFC0]  }
.Ltmp14:
0xf1: {  	_ = 	snop;
	(pc) =	sbr.rel .LBB2_16-.Ltmp14, $1  }
0xf2: {  	_ =	sdelay $0x3  }
.LBB2_20:
0xf3: {  	_ =	sfence.sel $0x180000  }
0xf4: {  	[bflag:$0x0] =	sbarrier.arrive $0xFFFF  }
0xf5: {  	p0 =	sne.s32 s0, $0x0;
	_ =	strace $0x90000047  }
0xf6: {  	s0 =	sadd.s32 @!p0 $0x100000, s1;
	[bflag:$0x2] =	sbarrier.arrive $0xFFFF  }
0xf7: {  	[sflag:s0] =	ssyncadd.tile.s32 @!p0 $0x1;
	_ =	shalt  }
.Lfunc_end2:
_tile_overlayer_lowered:
.L_overlay_start_2:
0xf8: {  	(tag) =	ssettag $0x2  }
0xf9: {  	s0 =	rddreg [dreg:$0x0];
	s2 =	stileid.u32  }
0xfa: {  	s1 =	rddreg [dreg:$0x1];
	p0 =	sne.s32 s2, $0x0  }
0xfb: {  	s3 =	rddreg [dreg:$0x2];
	[bflag:$0x3] =	sbarrier.arrive $0xFFFF;
	s2 =	simm.s32 @!p0 $0x1C03  }
0xfc: {  	[timem:s3], [sflag:s2] =	dma.local @!p0 [hbm:s0], s1  }
0xfd: {  	s0 =	simm.s32 @!p0 $0x3  }
0xfe: {  	_ =	swait.ge @!p0 [sflag:s0], s1  }
0xff: {  	s1 =	ssub.s32 @!p0 $0x0, s1;
	[sflag:s0] =	ssyncset.done @!p0 $0x0  }
0x100: {  	[sflag:s0] =	ssyncadd.s32 @!p0 s1  }
0x101: {  	[bflag:$0x3] =	sbarrier.arrive $0xFFFF  }
0x102: {  	_ =	shalt  }

</sc_bundles>
